<compile_context>
chip_gen: v7x
topology: tpu7x:2x2x1
jax: 0.10.2.dev20260603
libtpu: 0.0.44.dev20260713+nightly
codegen_flags: <defaults>
</compile_context>

<pallas_src>
import jax
import jax.numpy as jnp
from jax import lax
from jax.experimental import pallas as pl
from jax.experimental.pallas import tpu as pltpu
from jax.experimental.pallas import tpu_sc as plsc

_NC = 2
_NS = 16
_NW = _NC * _NS

_ROWS, _COLS = 4096, 200
_B = _ROWS * _COLS
_D = 64
_DP = 128
_B_PER_W = _B // _NW
_G = 128
_CHUNK_G = 4
_CHUNK = _CHUNK_G * _G
_N_CHUNKS = _B_PER_W // _CHUNK
_NBUF = 2


def _gather_body(idx_hbm, tab_hbm, out_hbm, idx_v, idx2_v, rows_v,
                 isem0, isem1, gsem0, gsem1, wsem0, wsem1):
    isem = [isem0, isem1]
    gsem = [gsem0, gsem1]
    wsem = [wsem0, wsem1]
    wid = lax.axis_index("s") * _NC + lax.axis_index("c")
    base = wid * _B_PER_W
    row_base = base // _G

    def idx_copy(c, b):
        row0 = pl.multiple_of(row_base + c * _CHUNK_G, _CHUNK_G)
        return pltpu.make_async_copy(
            idx_hbm.at[pl.ds(row0, _CHUNK_G)], idx_v.at[b], isem[b])

    def gather_copies(b):
        return [
            pltpu.make_async_copy(
                tab_hbm.at[idx2_v.at[b].at[j]],
                rows_v.at[b].at[pl.ds(j * _G, _G)],
                gsem[b],
            )
            for j in range(_CHUNK_G)
        ]

    def wb_copy(c, b):
        start = pl.multiple_of(base + c * _CHUNK, _CHUNK)
        return pltpu.make_async_copy(
            rows_v.at[b],
            out_hbm.at[pl.ds(start, _CHUNK), pl.ds(0, _D)],
            wsem[b])

    for b in range(_NBUF):
        idx_copy(b, b).start()

    @pl.loop(0, _N_CHUNKS, step=_NBUF)
    def _super(g):
        for b in range(_NBUF):
            c = g + b
            b1 = 1 - b
            idx_copy(c, b).wait()
            for j in range(_CHUNK_G):
                for v in range(_G // 16):
                    s = pl.ds(v * 16, 16)
                    idx2_v[b, j, s] = idx_v[b, j, s] * 2
            @pl.when(c >= _NBUF)
            def _():
                wb_copy(c, b).wait()
            for cp in gather_copies(b):
                cp.start()
            @pl.when(c + _NBUF < _N_CHUNKS)
            def _():
                idx_copy(c + _NBUF, b).start()
            @pl.when(c >= 1)
            def _():
                for cp in gather_copies(b1):
                    cp.wait()
                wb_copy(c - 1, b1).start()

    last_b = (_N_CHUNKS - 1) % _NBUF
    for cp in gather_copies(last_b):
        cp.wait()
    wb_copy(_N_CHUNKS - 1, last_b).start()
    for b in range(_NBUF):
        wb_copy(_N_CHUNKS - _NBUF + b, b).wait()


_mesh = plsc.VectorSubcoreMesh(core_axis_name="c", subcore_axis_name="s")

_gather = pl.kernel(
    _gather_body,
    out_type=jax.ShapeDtypeStruct((_B, _DP), jnp.float32),
    mesh=_mesh,
    compiler_params=pltpu.CompilerParams(
        use_tc_tiling_on_sc=False, needs_layout_passes=False),
    scratch_types=[
        pltpu.VMEM((_NBUF, _CHUNK_G, _G), jnp.int32),
        pltpu.VMEM((_NBUF, _CHUNK_G, _G), jnp.int32),
        pltpu.VMEM((_NBUF, _CHUNK, _D), jnp.float32),
        pltpu.SemaphoreType.DMA,
        pltpu.SemaphoreType.DMA,
        pltpu.SemaphoreType.DMA,
        pltpu.SemaphoreType.DMA,
        pltpu.SemaphoreType.DMA,
        pltpu.SemaphoreType.DMA,
    ],
)


def kernel(x, table):
    idx = x.reshape(_B // _G, _G).astype(jnp.int32)
    tab = jnp.pad(table, ((0, 0), (0, _DP - _D))).reshape(2 * 1000000, _D)
    out = _gather(idx, tab)
    return out[:, :_D].reshape(_ROWS, _COLS, _D)

# --- scband reference (transcript-rebuilt; emitter-appended) ---
"""Pipeline reference for scband-embed-52312701665769 (READ-ONLY COPY).

The authoritative reference and input builder live on the scoring server;
editing this copy changes nothing except your own understanding.
"""

import jax, jax.numpy as jnp
import numpy as np

def setup_inputs(seed: int = 0) -> dict:
    key = jax.random.key(seed)
    k1, k2 = jax.random.split(key)
    x = jax.random.randint(k1, (4096, 200), 0, 1000000, dtype=jnp.int64 if jax.config.jax_enable_x64 else jnp.int32)
    table = jax.random.normal(k2, (1000000, 64), dtype=jnp.float32) * 0.02
    return {"x": x, "table": table}

def reference(x, table):
    # Embed.forward with gnn_used=False, norm=False, noise=0.0, dropout=0.0:
    # embeddings = self.embedding(x); regularize is a no-op (stddev=0, p=0)
    embeddings = jnp.take(table, x, axis=0)
    return embeddings

if __name__ == "__main__":
    import jax
    _d = setup_inputs()
    print(jax.jit(kernel)(*tuple(_d.values())))

</pallas_src>

<mosaic_0001>
#map = affine_map<(d0, d1) -> (0, 0)>
module attributes {stable_mosaic.version = 14 : i64} {
  func.func @_gather_body(%arg0: i32, %arg1: i32, %arg2: memref<6400x128xi32, #tpu.memory_space<hbm>>, %arg3: memref<2000000x64xf32, #tpu.memory_space<hbm>>, %arg4: memref<819200x128xf32, #tpu.memory_space<hbm>>, %arg5: memref<2x4x128xi32, #tpu.memory_space<vmem>>, %arg6: memref<2x4x128xi32, #tpu.memory_space<vmem>>, %arg7: memref<2x512x64xf32, #tpu.memory_space<vmem>>, %arg8: memref<!tpu.dma_semaphore, #tpu.memory_space<semaphore_mem>>, %arg9: memref<!tpu.dma_semaphore, #tpu.memory_space<semaphore_mem>>, %arg10: memref<!tpu.dma_semaphore, #tpu.memory_space<semaphore_mem>>, %arg11: memref<!tpu.dma_semaphore, #tpu.memory_space<semaphore_mem>>, %arg12: memref<!tpu.dma_semaphore, #tpu.memory_space<semaphore_mem>>, %arg13: memref<!tpu.dma_semaphore, #tpu.memory_space<semaphore_mem>>) attributes {dimension_semantics = [#tpu.dimension_semantics<core_parallel>, #tpu.dimension_semantics<subcore_parallel>], iteration_bounds = array<i64: 2, 16>, scalar_prefetch = 0 : i64, scratch_operands = 9 : i64, tpu.core_type = #tpu.core_type<sc_vector_subcore>, window_params = [{transform_indices = #map}, {transform_indices = #map}, {transform_indices = #map}]} {
    %mul3A = arith.constant 2 : i32
    %mul3A_0 = arith.muli %arg1, %mul3A : i32
    %add3A = arith.addi %mul3A_0, %arg0 : i32
    %mul3A_1 = arith.constant 25600 : i32
    %mul3A_2 = arith.muli %add3A, %mul3A_1 : i32
    %jit3A = arith.constant 128 : i32
    %div3A = arith.divsi %mul3A_2, %jit3A : i32
    %sign3A = arith.constant 0 : i32
    %sign3A_3 = arith.cmpi sgt, %mul3A_2, %sign3A : i32
    %sign3A_4 = arith.extui %sign3A_3 : i1 to i32
    %sign3A_5 = arith.constant 0 : i32
    %sign3A_6 = arith.cmpi slt, %mul3A_2, %sign3A_5 : i32
    %sign3A_7 = arith.extui %sign3A_6 : i1 to i32
    %sign3A_8 = arith.subi %sign3A_4, %sign3A_7 : i32
    %sign3A_9 = arith.constant 0 : i32
    %sign3A_10 = arith.cmpi sgt, %jit3A, %sign3A_9 : i32
    %sign3A_11 = arith.extui %sign3A_10 : i1 to i32
    %sign3A_12 = arith.constant 0 : i32
    %sign3A_13 = arith.cmpi slt, %jit3A, %sign3A_12 : i32
    %sign3A_14 = arith.extui %sign3A_13 : i1 to i32
    %sign3A_15 = arith.subi %sign3A_11, %sign3A_14 : i32
    %ne3A = arith.cmpi ne, %sign3A_8, %sign3A_15 : i32
    %rem3A = arith.remsi %mul3A_2, %jit3A : i32
    %ne3A_16 = arith.constant 0 : i32
    %ne3A_17 = arith.cmpi ne, %rem3A, %ne3A_16 : i32
    %and3A = arith.andi %ne3A, %ne3A_17 : i1
    %sub3A = arith.constant 1 : i32
    %sub3A_18 = arith.subi %div3A, %sub3A : i32
    %select_n3A = arith.select %and3A, %sub3A_18, %div3A : i32
    %add3A_19 = arith.constant 0 : i32
    %add3A_20 = arith.addi %select_n3A, %add3A_19 : i32
    %multiple_of3A = tpu.assume_multiple %add3A_20, 4 : i32
    %dma_start3A = arith.constant 0 : i32
    %dma_start3A_21 = arith.constant 0 : i32
    %dma_start3A_22 = arith.constant 0 : i32
    %dma_start3A_23 = tpu.memref_slice %arg5[%dma_start3A, %dma_start3A_21, %dma_start3A_22] : memref<2x4x128xi32, #tpu.memory_space<vmem>> -> memref<1x4x128xi32, #tpu.memory_space<vmem>>
    %dma_start3A_24 = tpu.memref_squeeze %dma_start3A_23 : memref<1x4x128xi32, #tpu.memory_space<vmem>> -> memref<4x128xi32, #tpu.memory_space<vmem>>
    %dma_start3A_25 = arith.constant 0 : i32
    %dma_start3A_26 = tpu.memref_slice %arg2[%multiple_of3A, %dma_start3A_25] : memref<6400x128xi32, #tpu.memory_space<hbm>> -> memref<4x128xi32, #tpu.memory_space<hbm>>
    %dma_start3A_27 = arith.constant 0 : i32
    %dma_start3A_28 = arith.constant 0 : i32
    %dma_start3A_29 = tpu.memref_slice %arg5[%dma_start3A, %dma_start3A_27, %dma_start3A_28] : memref<2x4x128xi32, #tpu.memory_space<vmem>> -> memref<1x4x128xi32, #tpu.memory_space<vmem>>
    %dma_start3A_30 = tpu.memref_squeeze %dma_start3A_29 : memref<1x4x128xi32, #tpu.memory_space<vmem>> -> memref<4x128xi32, #tpu.memory_space<vmem>>
    %dma_start3A_31 = arith.constant 0 : i32
    %dma_start3A_32 = tpu.memref_slice %arg2[%multiple_of3A, %dma_start3A_31] : memref<6400x128xi32, #tpu.memory_space<hbm>> -> memref<4x128xi32, #tpu.memory_space<hbm>>
    tpu.enqueue_dma source(%dma_start3A_32 : memref<4x128xi32, #tpu.memory_space<hbm>>) target(%dma_start3A_30 : memref<4x128xi32, #tpu.memory_space<vmem>>) target_semaphore(%arg8 : memref<!tpu.dma_semaphore, #tpu.memory_space<semaphore_mem>>)
    %add3A_33 = arith.constant 4 : i32
    %add3A_34 = arith.addi %select_n3A, %add3A_33 : i32
    %multiple_of3A_35 = tpu.assume_multiple %add3A_34, 4 : i32
    %dma_start3A_36 = arith.constant 1 : i32
    %dma_start3A_37 = arith.constant 0 : i32
    %dma_start3A_38 = arith.constant 0 : i32
    %dma_start3A_39 = tpu.memref_slice %arg5[%dma_start3A_36, %dma_start3A_37, %dma_start3A_38] : memref<2x4x128xi32, #tpu.memory_space<vmem>> -> memref<1x4x128xi32, #tpu.memory_space<vmem>>
    %dma_start3A_40 = tpu.memref_squeeze %dma_start3A_39 : memref<1x4x128xi32, #tpu.memory_space<vmem>> -> memref<4x128xi32, #tpu.memory_space<vmem>>
    %dma_start3A_41 = arith.constant 0 : i32
    %dma_start3A_42 = tpu.memref_slice %arg2[%multiple_of3A_35, %dma_start3A_41] : memref<6400x128xi32, #tpu.memory_space<hbm>> -> memref<4x128xi32, #tpu.memory_space<hbm>>
    %dma_start3A_43 = arith.constant 0 : i32
    %dma_start3A_44 = arith.constant 0 : i32
    %dma_start3A_45 = tpu.memref_slice %arg5[%dma_start3A_36, %dma_start3A_43, %dma_start3A_44] : memref<2x4x128xi32, #tpu.memory_space<vmem>> -> memref<1x4x128xi32, #tpu.memory_space<vmem>>
    %dma_start3A_46 = tpu.memref_squeeze %dma_start3A_45 : memref<1x4x128xi32, #tpu.memory_space<vmem>> -> memref<4x128xi32, #tpu.memory_space<vmem>>
    %dma_start3A_47 = arith.constant 0 : i32
    %dma_start3A_48 = tpu.memref_slice %arg2[%multiple_of3A_35, %dma_start3A_47] : memref<6400x128xi32, #tpu.memory_space<hbm>> -> memref<4x128xi32, #tpu.memory_space<hbm>>
    tpu.enqueue_dma source(%dma_start3A_48 : memref<4x128xi32, #tpu.memory_space<hbm>>) target(%dma_start3A_46 : memref<4x128xi32, #tpu.memory_space<vmem>>) target_semaphore(%arg9 : memref<!tpu.dma_semaphore, #tpu.memory_space<semaphore_mem>>)
    %scan3A = arith.constant 0 : i32
    %scan3A_49 = arith.constant 25 : i32
    %scan3A_50 = arith.addi %scan3A, %scan3A_49 : i32
    %scan3A_51 = arith.constant 1 : i32
    scf.for %scan3A_180 = %scan3A to %scan3A_50 step %scan3A_51  : i32 {
      %mul3A_181 = arith.constant 2 : i32
      %mul3A_182 = arith.muli %scan3A_180, %mul3A_181 : i32
      %add3A_183 = arith.constant 0 : i32
      %add3A_184 = arith.addi %add3A_183, %mul3A_182 : i32
      %add3A_185 = arith.constant 0 : i32
      %add3A_186 = arith.addi %add3A_184, %add3A_185 : i32
      %mul3A_187 = arith.constant 4 : i32
      %mul3A_188 = arith.muli %add3A_186, %mul3A_187 : i32
      %add3A_189 = arith.addi %select_n3A, %mul3A_188 : i32
      %multiple_of3A_190 = tpu.assume_multiple %add3A_189, 4 : i32
      %dma_wait3A_191 = arith.constant 0 : i32
      %dma_wait3A_192 = arith.constant 0 : i32
      %dma_wait3A_193 = arith.constant 0 : i32
      %dma_wait3A_194 = tpu.memref_slice %arg5[%dma_wait3A_191, %dma_wait3A_192, %dma_wait3A_193] : memref<2x4x128xi32, #tpu.memory_space<vmem>> -> memref<1x4x128xi32, #tpu.memory_space<vmem>>
      %dma_wait3A_195 = tpu.memref_squeeze %dma_wait3A_194 : memref<1x4x128xi32, #tpu.memory_space<vmem>> -> memref<4x128xi32, #tpu.memory_space<vmem>>
      %dma_wait3A_196 = arith.constant 0 : i32
      %dma_wait3A_197 = tpu.memref_slice %arg2[%multiple_of3A_190, %dma_wait3A_196] : memref<6400x128xi32, #tpu.memory_space<hbm>> -> memref<4x128xi32, #tpu.memory_space<hbm>>
      %dma_wait3A_198 = arith.constant 0 : i32
      %dma_wait3A_199 = arith.constant 0 : i32
      %dma_wait3A_200 = tpu.memref_slice %arg5[%dma_wait3A_191, %dma_wait3A_198, %dma_wait3A_199] : memref<2x4x128xi32, #tpu.memory_space<vmem>> -> memref<1x4x128xi32, #tpu.memory_space<vmem>>
      %dma_wait3A_201 = tpu.memref_squeeze %dma_wait3A_200 : memref<1x4x128xi32, #tpu.memory_space<vmem>> -> memref<4x128xi32, #tpu.memory_space<vmem>>
      %dma_wait3A_202 = arith.constant 0 : i32
      %dma_wait3A_203 = tpu.memref_slice %arg2[%multiple_of3A_190, %dma_wait3A_202] : memref<6400x128xi32, #tpu.memory_space<hbm>> -> memref<4x128xi32, #tpu.memory_space<hbm>>
      tpu.wait_dma2 semaphore(%arg8 : memref<!tpu.dma_semaphore, #tpu.memory_space<semaphore_mem>>) src(%dma_wait3A_203 : memref<4x128xi32, #tpu.memory_space<hbm>>) dst(%dma_wait3A_201 : memref<4x128xi32, #tpu.memory_space<vmem>>)
      %get3A = arith.constant 0 : i32
      %get3A_204 = arith.constant 0 : i32
      %get3A_205 = arith.index_cast %get3A : i32 to index
      %get3A_206 = arith.index_cast %get3A_204 : i32 to index
      %get3A_207 = arith.constant 0 : index
      %get3A_208 = tpu.vector_load %arg5[%get3A_205, %get3A_206, %get3A_207] {strides = array<i32>} : memref<2x4x128xi32, #tpu.memory_space<vmem>>, vector<16xi32>,
      %mul3A_209 = arith.constant 2 : i32
      %mul3A_210 = vector.broadcast %mul3A_209 : i32 to vector<16xi32>
      %mul3A_211 = arith.muli %get3A_208, %mul3A_210 : vector<16xi32>
      %swap3A = arith.constant 0 : i32
      %swap3A_212 = arith.constant 0 : i32
      %swap3A_213 = arith.index_cast %swap3A : i32 to index
      %swap3A_214 = arith.index_cast %swap3A_212 : i32 to index
      %swap3A_215 = arith.constant 0 : index
      %swap3A_216 = tpu.vector_load %arg6[%swap3A_213, %swap3A_214, %swap3A_215] {strides = array<i32>} : memref<2x4x128xi32, #tpu.memory_space<vmem>>, vector<16xi32>,
      tpu.vector_store %arg6[%swap3A_213, %swap3A_214, %swap3A_215], %mul3A_211 {strides = array<i32>} : memref<2x4x128xi32, #tpu.memory_space<vmem>>, vector<16xi32>,
      %get3A_217 = arith.constant 0 : i32
      %get3A_218 = arith.constant 0 : i32
      %get3A_219 = arith.index_cast %get3A_217 : i32 to index
      %get3A_220 = arith.index_cast %get3A_218 : i32 to index
      %get3A_221 = arith.constant 16 : index
      %get3A_222 = tpu.vector_load %arg5[%get3A_219, %get3A_220, %get3A_221] {strides = array<i32>} : memref<2x4x128xi32, #tpu.memory_space<vmem>>, vector<16xi32>,
      %mul3A_223 = arith.constant 2 : i32
      %mul3A_224 = vector.broadcast %mul3A_223 : i32 to vector<16xi32>
      %mul3A_225 = arith.muli %get3A_222, %mul3A_224 : vector<16xi32>
      %swap3A_226 = arith.constant 0 : i32
      %swap3A_227 = arith.constant 0 : i32
      %swap3A_228 = arith.index_cast %swap3A_226 : i32 to index
      %swap3A_229 = arith.index_cast %swap3A_227 : i32 to index
      %swap3A_230 = arith.constant 16 : index
      %swap3A_231 = tpu.vector_load %arg6[%swap3A_228, %swap3A_229, %swap3A_230] {strides = array<i32>} : memref<2x4x128xi32, #tpu.memory_space<vmem>>, vector<16xi32>,
      tpu.vector_store %arg6[%swap3A_228, %swap3A_229, %swap3A_230], %mul3A_225 {strides = array<i32>} : memref<2x4x128xi32, #tpu.memory_space<vmem>>, vector<16xi32>,
      %get3A_232 = arith.constant 0 : i32
      %get3A_233 = arith.constant 0 : i32
      %get3A_234 = arith.index_cast %get3A_232 : i32 to index
      %get3A_235 = arith.index_cast %get3A_233 : i32 to index
      %get3A_236 = arith.constant 32 : index
      %get3A_237 = tpu.vector_load %arg5[%get3A_234, %get3A_235, %get3A_236] {strides = array<i32>} : memref<2x4x128xi32, #tpu.memory_space<vmem>>, vector<16xi32>,
      %mul3A_238 = arith.constant 2 : i32
      %mul3A_239 = vector.broadcast %mul3A_238 : i32 to vector<16xi32>
      %mul3A_240 = arith.muli %get3A_237, %mul3A_239 : vector<16xi32>
      %swap3A_241 = arith.constant 0 : i32
      %swap3A_242 = arith.constant 0 : i32
      %swap3A_243 = arith.index_cast %swap3A_241 : i32 to index
      %swap3A_244 = arith.index_cast %swap3A_242 : i32 to index
      %swap3A_245 = arith.constant 32 : index
      %swap3A_246 = tpu.vector_load %arg6[%swap3A_243, %swap3A_244, %swap3A_245] {strides = array<i32>} : memref<2x4x128xi32, #tpu.memory_space<vmem>>, vector<16xi32>,
      tpu.vector_store %arg6[%swap3A_243, %swap3A_244, %swap3A_245], %mul3A_240 {strides = array<i32>} : memref<2x4x128xi32, #tpu.memory_space<vmem>>, vector<16xi32>,
      %get3A_247 = arith.constant 0 : i32
      %get3A_248 = arith.constant 0 : i32
      %get3A_249 = arith.index_cast %get3A_247 : i32 to index
      %get3A_250 = arith.index_cast %get3A_248 : i32 to index
      %get3A_251 = arith.constant 48 : index
      %get3A_252 = tpu.vector_load %arg5[%get3A_249, %get3A_250, %get3A_251] {strides = array<i32>} : memref<2x4x128xi32, #tpu.memory_space<vmem>>, vector<16xi32>,
      %mul3A_253 = arith.constant 2 : i32
      %mul3A_254 = vector.broadcast %mul3A_253 : i32 to vector<16xi32>
      %mul3A_255 = arith.muli %get3A_252, %mul3A_254 : vector<16xi32>
      %swap3A_256 = arith.constant 0 : i32
      %swap3A_257 = arith.constant 0 : i32
      %swap3A_258 = arith.index_cast %swap3A_256 : i32 to index
      %swap3A_259 = arith.index_cast %swap3A_257 : i32 to index
      %swap3A_260 = arith.constant 48 : index
      %swap3A_261 = tpu.vector_load %arg6[%swap3A_258, %swap3A_259, %swap3A_260] {strides = array<i32>} : memref<2x4x128xi32, #tpu.memory_space<vmem>>, vector<16xi32>,
      tpu.vector_store %arg6[%swap3A_258, %swap3A_259, %swap3A_260], %mul3A_255 {strides = array<i32>} : memref<2x4x128xi32, #tpu.memory_space<vmem>>, vector<16xi32>,
      %get3A_262 = arith.constant 0 : i32
      %get3A_263 = arith.constant 0 : i32
      %get3A_264 = arith.index_cast %get3A_262 : i32 to index
      %get3A_265 = arith.index_cast %get3A_263 : i32 to index
      %get3A_266 = arith.constant 64 : index
      %get3A_267 = tpu.vector_load %arg5[%get3A_264, %get3A_265, %get3A_266] {strides = array<i32>} : memref<2x4x128xi32, #tpu.memory_space<vmem>>, vector<16xi32>,
      %mul3A_268 = arith.constant 2 : i32
      %mul3A_269 = vector.broadcast %mul3A_268 : i32 to vector<16xi32>
      %mul3A_270 = arith.muli %get3A_267, %mul3A_269 : vector<16xi32>
      %swap3A_271 = arith.constant 0 : i32
      %swap3A_272 = arith.constant 0 : i32
      %swap3A_273 = arith.index_cast %swap3A_271 : i32 to index
      %swap3A_274 = arith.index_cast %swap3A_272 : i32 to index
      %swap3A_275 = arith.constant 64 : index
      %swap3A_276 = tpu.vector_load %arg6[%swap3A_273, %swap3A_274, %swap3A_275] {strides = array<i32>} : memref<2x4x128xi32, #tpu.memory_space<vmem>>, vector<16xi32>,
      tpu.vector_store %arg6[%swap3A_273, %swap3A_274, %swap3A_275], %mul3A_270 {strides = array<i32>} : memref<2x4x128xi32, #tpu.memory_space<vmem>>, vector<16xi32>,
      %get3A_277 = arith.constant 0 : i32
      %get3A_278 = arith.constant 0 : i32
      %get3A_279 = arith.index_cast %get3A_277 : i32 to index
      %get3A_280 = arith.index_cast %get3A_278 : i32 to index
      %get3A_281 = arith.constant 80 : index
      %get3A_282 = tpu.vector_load %arg5[%get3A_279, %get3A_280, %get3A_281] {strides = array<i32>} : memref<2x4x128xi32, #tpu.memory_space<vmem>>, vector<16xi32>,
      %mul3A_283 = arith.constant 2 : i32
      %mul3A_284 = vector.broadcast %mul3A_283 : i32 to vector<16xi32>
      %mul3A_285 = arith.muli %get3A_282, %mul3A_284 : vector<16xi32>
      %swap3A_286 = arith.constant 0 : i32
      %swap3A_287 = arith.constant 0 : i32
      %swap3A_288 = arith.index_cast %swap3A_286 : i32 to index
      %swap3A_289 = arith.index_cast %swap3A_287 : i32 to index
      %swap3A_290 = arith.constant 80 : index
      %swap3A_291 = tpu.vector_load %arg6[%swap3A_288, %swap3A_289, %swap3A_290] {strides = array<i32>} : memref<2x4x128xi32, #tpu.memory_space<vmem>>, vector<16xi32>,
      tpu.vector_store %arg6[%swap3A_288, %swap3A_289, %swap3A_290], %mul3A_285 {strides = array<i32>} : memref<2x4x128xi32, #tpu.memory_space<vmem>>, vector<16xi32>,
      %get3A_292 = arith.constant 0 : i32
      %get3A_293 = arith.constant 0 : i32
      %get3A_294 = arith.index_cast %get3A_292 : i32 to index
      %get3A_295 = arith.index_cast %get3A_293 : i32 to index
      %get3A_296 = arith.constant 96 : index
      %get3A_297 = tpu.vector_load %arg5[%get3A_294, %get3A_295, %get3A_296] {strides = array<i32>} : memref<2x4x128xi32, #tpu.memory_space<vmem>>, vector<16xi32>,
      %mul3A_298 = arith.constant 2 : i32
      %mul3A_299 = vector.broadcast %mul3A_298 : i32 to vector<16xi32>
      %mul3A_300 = arith.muli %get3A_297, %mul3A_299 : vector<16xi32>
      %swap3A_301 = arith.constant 0 : i32
      %swap3A_302 = arith.constant 0 : i32
      %swap3A_303 = arith.index_cast %swap3A_301 : i32 to index
      %swap3A_304 = arith.index_cast %swap3A_302 : i32 to index
      %swap3A_305 = arith.constant 96 : index
      %swap3A_306 = tpu.vector_load %arg6[%swap3A_303, %swap3A_304, %swap3A_305] {strides = array<i32>} : memref<2x4x128xi32, #tpu.memory_space<vmem>>, vector<16xi32>,
      tpu.vector_store %arg6[%swap3A_303, %swap3A_304, %swap3A_305], %mul3A_300 {strides = array<i32>} : memref<2x4x128xi32, #tpu.memory_space<vmem>>, vector<16xi32>,
      %get3A_307 = arith.constant 0 : i32
      %get3A_308 = arith.constant 0 : i32
      %get3A_309 = arith.index_cast %get3A_307 : i32 to index
      %get3A_310 = arith.index_cast %get3A_308 : i32 to index
      %get3A_311 = arith.constant 112 : index
      %get3A_312 = tpu.vector_load %arg5[%get3A_309, %get3A_310, %get3A_311] {strides = array<i32>} : memref<2x4x128xi32, #tpu.memory_space<vmem>>, vector<16xi32>,
      %mul3A_313 = arith.constant 2 : i32
      %mul3A_314 = vector.broadcast %mul3A_313 : i32 to vector<16xi32>
      %mul3A_315 = arith.muli %get3A_312, %mul3A_314 : vector<16xi32>
      %swap3A_316 = arith.constant 0 : i32
      %swap3A_317 = arith.constant 0 : i32
      %swap3A_318 = arith.index_cast %swap3A_316 : i32 to index
      %swap3A_319 = arith.index_cast %swap3A_317 : i32 to index
      %swap3A_320 = arith.constant 112 : index
      %swap3A_321 = tpu.vector_load %arg6[%swap3A_318, %swap3A_319, %swap3A_320] {strides = array<i32>} : memref<2x4x128xi32, #tpu.memory_space<vmem>>, vector<16xi32>,
      tpu.vector_store %arg6[%swap3A_318, %swap3A_319, %swap3A_320], %mul3A_315 {strides = array<i32>} : memref<2x4x128xi32, #tpu.memory_space<vmem>>, vector<16xi32>,
      %get3A_322 = arith.constant 0 : i32
      %get3A_323 = arith.constant 1 : i32
      %get3A_324 = arith.index_cast %get3A_322 : i32 to index
      %get3A_325 = arith.index_cast %get3A_323 : i32 to index
      %get3A_326 = arith.constant 0 : index
      %get3A_327 = tpu.vector_load %arg5[%get3A_324, %get3A_325, %get3A_326] {strides = array<i32>} : memref<2x4x128xi32, #tpu.memory_space<vmem>>, vector<16xi32>,
      %mul3A_328 = arith.constant 2 : i32
      %mul3A_329 = vector.broadcast %mul3A_328 : i32 to vector<16xi32>
      %mul3A_330 = arith.muli %get3A_327, %mul3A_329 : vector<16xi32>
      %swap3A_331 = arith.constant 0 : i32
      %swap3A_332 = arith.constant 1 : i32
      %swap3A_333 = arith.index_cast %swap3A_331 : i32 to index
      %swap3A_334 = arith.index_cast %swap3A_332 : i32 to index
      %swap3A_335 = arith.constant 0 : index
      %swap3A_336 = tpu.vector_load %arg6[%swap3A_333, %swap3A_334, %swap3A_335] {strides = array<i32>} : memref<2x4x128xi32, #tpu.memory_space<vmem>>, vector<16xi32>,
      tpu.vector_store %arg6[%swap3A_333, %swap3A_334, %swap3A_335], %mul3A_330 {strides = array<i32>} : memref<2x4x128xi32, #tpu.memory_space<vmem>>, vector<16xi32>,
      %get3A_337 = arith.constant 0 : i32
      %get3A_338 = arith.constant 1 : i32
      %get3A_339 = arith.index_cast %get3A_337 : i32 to index
      %get3A_340 = arith.index_cast %get3A_338 : i32 to index
      %get3A_341 = arith.constant 16 : index
      %get3A_342 = tpu.vector_load %arg5[%get3A_339, %get3A_340, %get3A_341] {strides = array<i32>} : memref<2x4x128xi32, #tpu.memory_space<vmem>>, vector<16xi32>,
      %mul3A_343 = arith.constant 2 : i32
      %mul3A_344 = vector.broadcast %mul3A_343 : i32 to vector<16xi32>
      %mul3A_345 = arith.muli %get3A_342, %mul3A_344 : vector<16xi32>
      %swap3A_346 = arith.constant 0 : i32
      %swap3A_347 = arith.constant 1 : i32
      %swap3A_348 = arith.index_cast %swap3A_346 : i32 to index
      %swap3A_349 = arith.index_cast %swap3A_347 : i32 to index
      %swap3A_350 = arith.constant 16 : index
      %swap3A_351 = tpu.vector_load %arg6[%swap3A_348, %swap3A_349, %swap3A_350] {strides = array<i32>} : memref<2x4x128xi32, #tpu.memory_space<vmem>>, vector<16xi32>,
      tpu.vector_store %arg6[%swap3A_348, %swap3A_349, %swap3A_350], %mul3A_345 {strides = array<i32>} : memref<2x4x128xi32, #tpu.memory_space<vmem>>, vector<16xi32>,
      %get3A_352 = arith.constant 0 : i32
      %get3A_353 = arith.constant 1 : i32
      %get3A_354 = arith.index_cast %get3A_352 : i32 to index
      %get3A_355 = arith.index_cast %get3A_353 : i32 to index
      %get3A_356 = arith.constant 32 : index
      %get3A_357 = tpu.vector_load %arg5[%get3A_354, %get3A_355, %get3A_356] {strides = array<i32>} : memref<2x4x128xi32, #tpu.memory_space<vmem>>, vector<16xi32>,
      %mul3A_358 = arith.constant 2 : i32
      %mul3A_359 = vector.broadcast %mul3A_358 : i32 to vector<16xi32>
      %mul3A_360 = arith.muli %get3A_357, %mul3A_359 : vector<16xi32>
      %swap3A_361 = arith.constant 0 : i32
      %swap3A_362 = arith.constant 1 : i32
      %swap3A_363 = arith.index_cast %swap3A_361 : i32 to index
      %swap3A_364 = arith.index_cast %swap3A_362 : i32 to index
      %swap3A_365 = arith.constant 32 : index
      %swap3A_366 = tpu.vector_load %arg6[%swap3A_363, %swap3A_364, %swap3A_365] {strides = array<i32>} : memref<2x4x128xi32, #tpu.memory_space<vmem>>, vector<16xi32>,
      tpu.vector_store %arg6[%swap3A_363, %swap3A_364, %swap3A_365], %mul3A_360 {strides = array<i32>} : memref<2x4x128xi32, #tpu.memory_space<vmem>>, vector<16xi32>,
      %get3A_367 = arith.constant 0 : i32
      %get3A_368 = arith.constant 1 : i32
      %get3A_369 = arith.index_cast %get3A_367 : i32 to index
      %get3A_370 = arith.index_cast %get3A_368 : i32 to index
      %get3A_371 = arith.constant 48 : index
      %get3A_372 = tpu.vector_load %arg5[%get3A_369, %get3A_370, %get3A_371] {strides = array<i32>} : memref<2x4x128xi32, #tpu.memory_space<vmem>>, vector<16xi32>,
      %mul3A_373 = arith.constant 2 : i32
      %mul3A_374 = vector.broadcast %mul3A_373 : i32 to vector<16xi32>
      %mul3A_375 = arith.muli %get3A_372, %mul3A_374 : vector<16xi32>
      %swap3A_376 = arith.constant 0 : i32
      %swap3A_377 = arith.constant 1 : i32
      %swap3A_378 = arith.index_cast %swap3A_376 : i32 to index
      %swap3A_379 = arith.index_cast %swap3A_377 : i32 to index
      %swap3A_380 = arith.constant 48 : index
      %swap3A_381 = tpu.vector_load %arg6[%swap3A_378, %swap3A_379, %swap3A_380] {strides = array<i32>} : memref<2x4x128xi32, #tpu.memory_space<vmem>>, vector<16xi32>,
      tpu.vector_store %arg6[%swap3A_378, %swap3A_379, %swap3A_380], %mul3A_375 {strides = array<i32>} : memref<2x4x128xi32, #tpu.memory_space<vmem>>, vector<16xi32>,
      %get3A_382 = arith.constant 0 : i32
      %get3A_383 = arith.constant 1 : i32
      %get3A_384 = arith.index_cast %get3A_382 : i32 to index
      %get3A_385 = arith.index_cast %get3A_383 : i32 to index
      %get3A_386 = arith.constant 64 : index
      %get3A_387 = tpu.vector_load %arg5[%get3A_384, %get3A_385, %get3A_386] {strides = array<i32>} : memref<2x4x128xi32, #tpu.memory_space<vmem>>, vector<16xi32>,
      %mul3A_388 = arith.constant 2 : i32
      %mul3A_389 = vector.broadcast %mul3A_388 : i32 to vector<16xi32>
      %mul3A_390 = arith.muli %get3A_387, %mul3A_389 : vector<16xi32>
      %swap3A_391 = arith.constant 0 : i32
      %swap3A_392 = arith.constant 1 : i32
      %swap3A_393 = arith.index_cast %swap3A_391 : i32 to index
      %swap3A_394 = arith.index_cast %swap3A_392 : i32 to index
      %swap3A_395 = arith.constant 64 : index
      %swap3A_396 = tpu.vector_load %arg6[%swap3A_393, %swap3A_394, %swap3A_395] {strides = array<i32>} : memref<2x4x128xi32, #tpu.memory_space<vmem>>, vector<16xi32>,
      tpu.vector_store %arg6[%swap3A_393, %swap3A_394, %swap3A_395], %mul3A_390 {strides = array<i32>} : memref<2x4x128xi32, #tpu.memory_space<vmem>>, vector<16xi32>,
      %get3A_397 = arith.constant 0 : i32
      %get3A_398 = arith.constant 1 : i32
      %get3A_399 = arith.index_cast %get3A_397 : i32 to index
      %get3A_400 = arith.index_cast %get3A_398 : i32 to index
      %get3A_401 = arith.constant 80 : index
      %get3A_402 = tpu.vector_load %arg5[%get3A_399, %get3A_400, %get3A_401] {strides = array<i32>} : memref<2x4x128xi32, #tpu.memory_space<vmem>>, vector<16xi32>,
      %mul3A_403 = arith.constant 2 : i32
      %mul3A_404 = vector.broadcast %mul3A_403 : i32 to vector<16xi32>
      %mul3A_405 = arith.muli %get3A_402, %mul3A_404 : vector<16xi32>
      %swap3A_406 = arith.constant 0 : i32
      %swap3A_407 = arith.constant 1 : i32
      %swap3A_408 = arith.index_cast %swap3A_406 : i32 to index
      %swap3A_409 = arith.index_cast %swap3A_407 : i32 to index
      %swap3A_410 = arith.constant 80 : index
      %swap3A_411 = tpu.vector_load %arg6[%swap3A_408, %swap3A_409, %swap3A_410] {strides = array<i32>} : memref<2x4x128xi32, #tpu.memory_space<vmem>>, vector<16xi32>,
      tpu.vector_store %arg6[%swap3A_408, %swap3A_409, %swap3A_410], %mul3A_405 {strides = array<i32>} : memref<2x4x128xi32, #tpu.memory_space<vmem>>, vector<16xi32>,
      %get3A_412 = arith.constant 0 : i32
      %get3A_413 = arith.constant 1 : i32
      %get3A_414 = arith.index_cast %get3A_412 : i32 to index
      %get3A_415 = arith.index_cast %get3A_413 : i32 to index
      %get3A_416 = arith.constant 96 : index
      %get3A_417 = tpu.vector_load %arg5[%get3A_414, %get3A_415, %get3A_416] {strides = array<i32>} : memref<2x4x128xi32, #tpu.memory_space<vmem>>, vector<16xi32>,
      %mul3A_418 = arith.constant 2 : i32
      %mul3A_419 = vector.broadcast %mul3A_418 : i32 to vector<16xi32>
      %mul3A_420 = arith.muli %get3A_417, %mul3A_419 : vector<16xi32>
      %swap3A_421 = arith.constant 0 : i32
      %swap3A_422 = arith.constant 1 : i32
      %swap3A_423 = arith.index_cast %swap3A_421 : i32 to index
      %swap3A_424 = arith.index_cast %swap3A_422 : i32 to index
      %swap3A_425 = arith.constant 96 : index
      %swap3A_426 = tpu.vector_load %arg6[%swap3A_423, %swap3A_424, %swap3A_425] {strides = array<i32>} : memref<2x4x128xi32, #tpu.memory_space<vmem>>, vector<16xi32>,
      tpu.vector_store %arg6[%swap3A_423, %swap3A_424, %swap3A_425], %mul3A_420 {strides = array<i32>} : memref<2x4x128xi32, #tpu.memory_space<vmem>>, vector<16xi32>,
      %get3A_427 = arith.constant 0 : i32
      %get3A_428 = arith.constant 1 : i32
      %get3A_429 = arith.index_cast %get3A_427 : i32 to index
      %get3A_430 = arith.index_cast %get3A_428 : i32 to index
      %get3A_431 = arith.constant 112 : index
      %get3A_432 = tpu.vector_load %arg5[%get3A_429, %get3A_430, %get3A_431] {strides = array<i32>} : memref<2x4x128xi32, #tpu.memory_space<vmem>>, vector<16xi32>,
      %mul3A_433 = arith.constant 2 : i32
      %mul3A_434 = vector.broadcast %mul3A_433 : i32 to vector<16xi32>
      %mul3A_435 = arith.muli %get3A_432, %mul3A_434 : vector<16xi32>
      %swap3A_436 = arith.constant 0 : i32
      %swap3A_437 = arith.constant 1 : i32
      %swap3A_438 = arith.index_cast %swap3A_436 : i32 to index
      %swap3A_439 = arith.index_cast %swap3A_437 : i32 to index
      %swap3A_440 = arith.constant 112 : index
      %swap3A_441 = tpu.vector_load %arg6[%swap3A_438, %swap3A_439, %swap3A_440] {strides = array<i32>} : memref<2x4x128xi32, #tpu.memory_space<vmem>>, vector<16xi32>,
      tpu.vector_store %arg6[%swap3A_438, %swap3A_439, %swap3A_440], %mul3A_435 {strides = array<i32>} : memref<2x4x128xi32, #tpu.memory_space<vmem>>, vector<16xi32>,
      %get3A_442 = arith.constant 0 : i32
      %get3A_443 = arith.constant 2 : i32
      %get3A_444 = arith.index_cast %get3A_442 : i32 to index
      %get3A_445 = arith.index_cast %get3A_443 : i32 to index
      %get3A_446 = arith.constant 0 : index
      %get3A_447 = tpu.vector_load %arg5[%get3A_444, %get3A_445, %get3A_446] {strides = array<i32>} : memref<2x4x128xi32, #tpu.memory_space<vmem>>, vector<16xi32>,
      %mul3A_448 = arith.constant 2 : i32
      %mul3A_449 = vector.broadcast %mul3A_448 : i32 to vector<16xi32>
      %mul3A_450 = arith.muli %get3A_447, %mul3A_449 : vector<16xi32>
      %swap3A_451 = arith.constant 0 : i32
      %swap3A_452 = arith.constant 2 : i32
      %swap3A_453 = arith.index_cast %swap3A_451 : i32 to index
      %swap3A_454 = arith.index_cast %swap3A_452 : i32 to index
      %swap3A_455 = arith.constant 0 : index
      %swap3A_456 = tpu.vector_load %arg6[%swap3A_453, %swap3A_454, %swap3A_455] {strides = array<i32>} : memref<2x4x128xi32, #tpu.memory_space<vmem>>, vector<16xi32>,
      tpu.vector_store %arg6[%swap3A_453, %swap3A_454, %swap3A_455], %mul3A_450 {strides = array<i32>} : memref<2x4x128xi32, #tpu.memory_space<vmem>>, vector<16xi32>,
      %get3A_457 = arith.constant 0 : i32
      %get3A_458 = arith.constant 2 : i32
      %get3A_459 = arith.index_cast %get3A_457 : i32 to index
      %get3A_460 = arith.index_cast %get3A_458 : i32 to index
      %get3A_461 = arith.constant 16 : index
      %get3A_462 = tpu.vector_load %arg5[%get3A_459, %get3A_460, %get3A_461] {strides = array<i32>} : memref<2x4x128xi32, #tpu.memory_space<vmem>>, vector<16xi32>,
      %mul3A_463 = arith.constant 2 : i32
      %mul3A_464 = vector.broadcast %mul3A_463 : i32 to vector<16xi32>
      %mul3A_465 = arith.muli %get3A_462, %mul3A_464 : vector<16xi32>
      %swap3A_466 = arith.constant 0 : i32
      %swap3A_467 = arith.constant 2 : i32
      %swap3A_468 = arith.index_cast %swap3A_466 : i32 to index
      %swap3A_469 = arith.index_cast %swap3A_467 : i32 to index
      %swap3A_470 = arith.constant 16 : index
      %swap3A_471 = tpu.vector_load %arg6[%swap3A_468, %swap3A_469, %swap3A_470] {strides = array<i32>} : memref<2x4x128xi32, #tpu.memory_space<vmem>>, vector<16xi32>,
      tpu.vector_store %arg6[%swap3A_468, %swap3A_469, %swap3A_470], %mul3A_465 {strides = array<i32>} : memref<2x4x128xi32, #tpu.memory_space<vmem>>, vector<16xi32>,
      %get3A_472 = arith.constant 0 : i32
      %get3A_473 = arith.constant 2 : i32
      %get3A_474 = arith.index_cast %get3A_472 : i32 to index
      %get3A_475 = arith.index_cast %get3A_473 : i32 to index
      %get3A_476 = arith.constant 32 : index
      %get3A_477 = tpu.vector_load %arg5[%get3A_474, %get3A_475, %get3A_476] {strides = array<i32>} : memref<2x4x128xi32, #tpu.memory_space<vmem>>, vector<16xi32>,
      %mul3A_478 = arith.constant 2 : i32
      %mul3A_479 = vector.broadcast %mul3A_478 : i32 to vector<16xi32>
      %mul3A_480 = arith.muli %get3A_477, %mul3A_479 : vector<16xi32>
      %swap3A_481 = arith.constant 0 : i32
      %swap3A_482 = arith.constant 2 : i32
      %swap3A_483 = arith.index_cast %swap3A_481 : i32 to index
      %swap3A_484 = arith.index_cast %swap3A_482 : i32 to index
      %swap3A_485 = arith.constant 32 : index
      %swap3A_486 = tpu.vector_load %arg6[%swap3A_483, %swap3A_484, %swap3A_485] {strides = array<i32>} : memref<2x4x128xi32, #tpu.memory_space<vmem>>, vector<16xi32>,
      tpu.vector_store %arg6[%swap3A_483, %swap3A_484, %swap3A_485], %mul3A_480 {strides = array<i32>} : memref<2x4x128xi32, #tpu.memory_space<vmem>>, vector<16xi32>,
      %get3A_487 = arith.constant 0 : i32
      %get3A_488 = arith.constant 2 : i32
      %get3A_489 = arith.index_cast %get3A_487 : i32 to index
      %get3A_490 = arith.index_cast %get3A_488 : i32 to index
      %get3A_491 = arith.constant 48 : index
      %get3A_492 = tpu.vector_load %arg5[%get3A_489, %get3A_490, %get3A_491] {strides = array<i32>} : memref<2x4x128xi32, #tpu.memory_space<vmem>>, vector<16xi32>,
      %mul3A_493 = arith.constant 2 : i32
      %mul3A_494 = vector.broadcast %mul3A_493 : i32 to vector<16xi32>
      %mul3A_495 = arith.muli %get3A_492, %mul3A_494 : vector<16xi32>
      %swap3A_496 = arith.constant 0 : i32
      %swap3A_497 = arith.constant 2 : i32
      %swap3A_498 = arith.index_cast %swap3A_496 : i32 to index
      %swap3A_499 = arith.index_cast %swap3A_497 : i32 to index
      %swap3A_500 = arith.constant 48 : index
      %swap3A_501 = tpu.vector_load %arg6[%swap3A_498, %swap3A_499, %swap3A_500] {strides = array<i32>} : memref<2x4x128xi32, #tpu.memory_space<vmem>>, vector<16xi32>,
      tpu.vector_store %arg6[%swap3A_498, %swap3A_499, %swap3A_500], %mul3A_495 {strides = array<i32>} : memref<2x4x128xi32, #tpu.memory_space<vmem>>, vector<16xi32>,
      %get3A_502 = arith.constant 0 : i32
      %get3A_503 = arith.constant 2 : i32
      %get3A_504 = arith.index_cast %get3A_502 : i32 to index
      %get3A_505 = arith.index_cast %get3A_503 : i32 to index
      %get3A_506 = arith.constant 64 : index
      %get3A_507 = tpu.vector_load %arg5[%get3A_504, %get3A_505, %get3A_506] {strides = array<i32>} : memref<2x4x128xi32, #tpu.memory_space<vmem>>, vector<16xi32>,
      %mul3A_508 = arith.constant 2 : i32
      %mul3A_509 = vector.broadcast %mul3A_508 : i32 to vector<16xi32>
      %mul3A_510 = arith.muli %get3A_507, %mul3A_509 : vector<16xi32>
      %swap3A_511 = arith.constant 0 : i32
      %swap3A_512 = arith.constant 2 : i32
      %swap3A_513 = arith.index_cast %swap3A_511 : i32 to index
      %swap3A_514 = arith.index_cast %swap3A_512 : i32 to index
      %swap3A_515 = arith.constant 64 : index
      %swap3A_516 = tpu.vector_load %arg6[%swap3A_513, %swap3A_514, %swap3A_515] {strides = array<i32>} : memref<2x4x128xi32, #tpu.memory_space<vmem>>, vector<16xi32>,
      tpu.vector_store %arg6[%swap3A_513, %swap3A_514, %swap3A_515], %mul3A_510 {strides = array<i32>} : memref<2x4x128xi32, #tpu.memory_space<vmem>>, vector<16xi32>,
      %get3A_517 = arith.constant 0 : i32
      %get3A_518 = arith.constant 2 : i32
      %get3A_519 = arith.index_cast %get3A_517 : i32 to index
      %get3A_520 = arith.index_cast %get3A_518 : i32 to index
      %get3A_521 = arith.constant 80 : index
      %get3A_522 = tpu.vector_load %arg5[%get3A_519, %get3A_520, %get3A_521] {strides = array<i32>} : memref<2x4x128xi32, #tpu.memory_space<vmem>>, vector<16xi32>,
      %mul3A_523 = arith.constant 2 : i32
      %mul3A_524 = vector.broadcast %mul3A_523 : i32 to vector<16xi32>
      %mul3A_525 = arith.muli %get3A_522, %mul3A_524 : vector<16xi32>
      %swap3A_526 = arith.constant 0 : i32
      %swap3A_527 = arith.constant 2 : i32
      %swap3A_528 = arith.index_cast %swap3A_526 : i32 to index
      %swap3A_529 = arith.index_cast %swap3A_527 : i32 to index
      %swap3A_530 = arith.constant 80 : index
      %swap3A_531 = tpu.vector_load %arg6[%swap3A_528, %swap3A_529, %swap3A_530] {strides = array<i32>} : memref<2x4x128xi32, #tpu.memory_space<vmem>>, vector<16xi32>,
      tpu.vector_store %arg6[%swap3A_528, %swap3A_529, %swap3A_530], %mul3A_525 {strides = array<i32>} : memref<2x4x128xi32, #tpu.memory_space<vmem>>, vector<16xi32>,
      %get3A_532 = arith.constant 0 : i32
      %get3A_533 = arith.constant 2 : i32
      %get3A_534 = arith.index_cast %get3A_532 : i32 to index
      %get3A_535 = arith.index_cast %get3A_533 : i32 to index
      %get3A_536 = arith.constant 96 : index
      %get3A_537 = tpu.vector_load %arg5[%get3A_534, %get3A_535, %get3A_536] {strides = array<i32>} : memref<2x4x128xi32, #tpu.memory_space<vmem>>, vector<16xi32>,
      %mul3A_538 = arith.constant 2 : i32
      %mul3A_539 = vector.broadcast %mul3A_538 : i32 to vector<16xi32>
      %mul3A_540 = arith.muli %get3A_537, %mul3A_539 : vector<16xi32>
      %swap3A_541 = arith.constant 0 : i32
      %swap3A_542 = arith.constant 2 : i32
      %swap3A_543 = arith.index_cast %swap3A_541 : i32 to index
      %swap3A_544 = arith.index_cast %swap3A_542 : i32 to index
      %swap3A_545 = arith.constant 96 : index
      %swap3A_546 = tpu.vector_load %arg6[%swap3A_543, %swap3A_544, %swap3A_545] {strides = array<i32>} : memref<2x4x128xi32, #tpu.memory_space<vmem>>, vector<16xi32>,
      tpu.vector_store %arg6[%swap3A_543, %swap3A_544, %swap3A_545], %mul3A_540 {strides = array<i32>} : memref<2x4x128xi32, #tpu.memory_space<vmem>>, vector<16xi32>,
      %get3A_547 = arith.constant 0 : i32
      %get3A_548 = arith.constant 2 : i32
      %get3A_549 = arith.index_cast %get3A_547 : i32 to index
      %get3A_550 = arith.index_cast %get3A_548 : i32 to index
      %get3A_551 = arith.constant 112 : index
      %get3A_552 = tpu.vector_load %arg5[%get3A_549, %get3A_550, %get3A_551] {strides = array<i32>} : memref<2x4x128xi32, #tpu.memory_space<vmem>>, vector<16xi32>,
      %mul3A_553 = arith.constant 2 : i32
      %mul3A_554 = vector.broadcast %mul3A_553 : i32 to vector<16xi32>
      %mul3A_555 = arith.muli %get3A_552, %mul3A_554 : vector<16xi32>
      %swap3A_556 = arith.constant 0 : i32
      %swap3A_557 = arith.constant 2 : i32
      %swap3A_558 = arith.index_cast %swap3A_556 : i32 to index
      %swap3A_559 = arith.index_cast %swap3A_557 : i32 to index
      %swap3A_560 = arith.constant 112 : index
      %swap3A_561 = tpu.vector_load %arg6[%swap3A_558, %swap3A_559, %swap3A_560] {strides = array<i32>} : memref<2x4x128xi32, #tpu.memory_space<vmem>>, vector<16xi32>,
      tpu.vector_store %arg6[%swap3A_558, %swap3A_559, %swap3A_560], %mul3A_555 {strides = array<i32>} : memref<2x4x128xi32, #tpu.memory_space<vmem>>, vector<16xi32>,
      %get3A_562 = arith.constant 0 : i32
      %get3A_563 = arith.constant 3 : i32
      %get3A_564 = arith.index_cast %get3A_562 : i32 to index
      %get3A_565 = arith.index_cast %get3A_563 : i32 to index
      %get3A_566 = arith.constant 0 : index
      %get3A_567 = tpu.vector_load %arg5[%get3A_564, %get3A_565, %get3A_566] {strides = array<i32>} : memref<2x4x128xi32, #tpu.memory_space<vmem>>, vector<16xi32>,
      %mul3A_568 = arith.constant 2 : i32
      %mul3A_569 = vector.broadcast %mul3A_568 : i32 to vector<16xi32>
      %mul3A_570 = arith.muli %get3A_567, %mul3A_569 : vector<16xi32>
      %swap3A_571 = arith.constant 0 : i32
      %swap3A_572 = arith.constant 3 : i32
      %swap3A_573 = arith.index_cast %swap3A_571 : i32 to index
      %swap3A_574 = arith.index_cast %swap3A_572 : i32 to index
      %swap3A_575 = arith.constant 0 : index
      %swap3A_576 = tpu.vector_load %arg6[%swap3A_573, %swap3A_574, %swap3A_575] {strides = array<i32>} : memref<2x4x128xi32, #tpu.memory_space<vmem>>, vector<16xi32>,
      tpu.vector_store %arg6[%swap3A_573, %swap3A_574, %swap3A_575], %mul3A_570 {strides = array<i32>} : memref<2x4x128xi32, #tpu.memory_space<vmem>>, vector<16xi32>,
      %get3A_577 = arith.constant 0 : i32
      %get3A_578 = arith.constant 3 : i32
      %get3A_579 = arith.index_cast %get3A_577 : i32 to index
      %get3A_580 = arith.index_cast %get3A_578 : i32 to index
      %get3A_581 = arith.constant 16 : index
      %get3A_582 = tpu.vector_load %arg5[%get3A_579, %get3A_580, %get3A_581] {strides = array<i32>} : memref<2x4x128xi32, #tpu.memory_space<vmem>>, vector<16xi32>,
      %mul3A_583 = arith.constant 2 : i32
      %mul3A_584 = vector.broadcast %mul3A_583 : i32 to vector<16xi32>
      %mul3A_585 = arith.muli %get3A_582, %mul3A_584 : vector<16xi32>
      %swap3A_586 = arith.constant 0 : i32
      %swap3A_587 = arith.constant 3 : i32
      %swap3A_588 = arith.index_cast %swap3A_586 : i32 to index
      %swap3A_589 = arith.index_cast %swap3A_587 : i32 to index
      %swap3A_590 = arith.constant 16 : index
      %swap3A_591 = tpu.vector_load %arg6[%swap3A_588, %swap3A_589, %swap3A_590] {strides = array<i32>} : memref<2x4x128xi32, #tpu.memory_space<vmem>>, vector<16xi32>,
      tpu.vector_store %arg6[%swap3A_588, %swap3A_589, %swap3A_590], %mul3A_585 {strides = array<i32>} : memref<2x4x128xi32, #tpu.memory_space<vmem>>, vector<16xi32>,
      %get3A_592 = arith.constant 0 : i32
      %get3A_593 = arith.constant 3 : i32
      %get3A_594 = arith.index_cast %get3A_592 : i32 to index
      %get3A_595 = arith.index_cast %get3A_593 : i32 to index
      %get3A_596 = arith.constant 32 : index
      %get3A_597 = tpu.vector_load %arg5[%get3A_594, %get3A_595, %get3A_596] {strides = array<i32>} : memref<2x4x128xi32, #tpu.memory_space<vmem>>, vector<16xi32>,
      %mul3A_598 = arith.constant 2 : i32
      %mul3A_599 = vector.broadcast %mul3A_598 : i32 to vector<16xi32>
      %mul3A_600 = arith.muli %get3A_597, %mul3A_599 : vector<16xi32>
      %swap3A_601 = arith.constant 0 : i32
      %swap3A_602 = arith.constant 3 : i32
      %swap3A_603 = arith.index_cast %swap3A_601 : i32 to index
      %swap3A_604 = arith.index_cast %swap3A_602 : i32 to index
      %swap3A_605 = arith.constant 32 : index
      %swap3A_606 = tpu.vector_load %arg6[%swap3A_603, %swap3A_604, %swap3A_605] {strides = array<i32>} : memref<2x4x128xi32, #tpu.memory_space<vmem>>, vector<16xi32>,
      tpu.vector_store %arg6[%swap3A_603, %swap3A_604, %swap3A_605], %mul3A_600 {strides = array<i32>} : memref<2x4x128xi32, #tpu.memory_space<vmem>>, vector<16xi32>,
      %get3A_607 = arith.constant 0 : i32
      %get3A_608 = arith.constant 3 : i32
      %get3A_609 = arith.index_cast %get3A_607 : i32 to index
      %get3A_610 = arith.index_cast %get3A_608 : i32 to index
      %get3A_611 = arith.constant 48 : index
      %get3A_612 = tpu.vector_load %arg5[%get3A_609, %get3A_610, %get3A_611] {strides = array<i32>} : memref<2x4x128xi32, #tpu.memory_space<vmem>>, vector<16xi32>,
      %mul3A_613 = arith.constant 2 : i32
      %mul3A_614 = vector.broadcast %mul3A_613 : i32 to vector<16xi32>
      %mul3A_615 = arith.muli %get3A_612, %mul3A_614 : vector<16xi32>
      %swap3A_616 = arith.constant 0 : i32
      %swap3A_617 = arith.constant 3 : i32
      %swap3A_618 = arith.index_cast %swap3A_616 : i32 to index
      %swap3A_619 = arith.index_cast %swap3A_617 : i32 to index
      %swap3A_620 = arith.constant 48 : index
      %swap3A_621 = tpu.vector_load %arg6[%swap3A_618, %swap3A_619, %swap3A_620] {strides = array<i32>} : memref<2x4x128xi32, #tpu.memory_space<vmem>>, vector<16xi32>,
      tpu.vector_store %arg6[%swap3A_618, %swap3A_619, %swap3A_620], %mul3A_615 {strides = array<i32>} : memref<2x4x128xi32, #tpu.memory_space<vmem>>, vector<16xi32>,
      %get3A_622 = arith.constant 0 : i32
      %get3A_623 = arith.constant 3 : i32
      %get3A_624 = arith.index_cast %get3A_622 : i32 to index
      %get3A_625 = arith.index_cast %get3A_623 : i32 to index
      %get3A_626 = arith.constant 64 : index
      %get3A_627 = tpu.vector_load %arg5[%get3A_624, %get3A_625, %get3A_626] {strides = array<i32>} : memref<2x4x128xi32, #tpu.memory_space<vmem>>, vector<16xi32>,
      %mul3A_628 = arith.constant 2 : i32
      %mul3A_629 = vector.broadcast %mul3A_628 : i32 to vector<16xi32>
      %mul3A_630 = arith.muli %get3A_627, %mul3A_629 : vector<16xi32>
      %swap3A_631 = arith.constant 0 : i32
      %swap3A_632 = arith.constant 3 : i32
      %swap3A_633 = arith.index_cast %swap3A_631 : i32 to index
      %swap3A_634 = arith.index_cast %swap3A_632 : i32 to index
      %swap3A_635 = arith.constant 64 : index
      %swap3A_636 = tpu.vector_load %arg6[%swap3A_633, %swap3A_634, %swap3A_635] {strides = array<i32>} : memref<2x4x128xi32, #tpu.memory_space<vmem>>, vector<16xi32>,
      tpu.vector_store %arg6[%swap3A_633, %swap3A_634, %swap3A_635], %mul3A_630 {strides = array<i32>} : memref<2x4x128xi32, #tpu.memory_space<vmem>>, vector<16xi32>,
      %get3A_637 = arith.constant 0 : i32
      %get3A_638 = arith.constant 3 : i32
      %get3A_639 = arith.index_cast %get3A_637 : i32 to index
      %get3A_640 = arith.index_cast %get3A_638 : i32 to index
      %get3A_641 = arith.constant 80 : index
      %get3A_642 = tpu.vector_load %arg5[%get3A_639, %get3A_640, %get3A_641] {strides = array<i32>} : memref<2x4x128xi32, #tpu.memory_space<vmem>>, vector<16xi32>,
      %mul3A_643 = arith.constant 2 : i32
      %mul3A_644 = vector.broadcast %mul3A_643 : i32 to vector<16xi32>
      %mul3A_645 = arith.muli %get3A_642, %mul3A_644 : vector<16xi32>
      %swap3A_646 = arith.constant 0 : i32
      %swap3A_647 = arith.constant 3 : i32
      %swap3A_648 = arith.index_cast %swap3A_646 : i32 to index
      %swap3A_649 = arith.index_cast %swap3A_647 : i32 to index
      %swap3A_650 = arith.constant 80 : index
      %swap3A_651 = tpu.vector_load %arg6[%swap3A_648, %swap3A_649, %swap3A_650] {strides = array<i32>} : memref<2x4x128xi32, #tpu.memory_space<vmem>>, vector<16xi32>,
      tpu.vector_store %arg6[%swap3A_648, %swap3A_649, %swap3A_650], %mul3A_645 {strides = array<i32>} : memref<2x4x128xi32, #tpu.memory_space<vmem>>, vector<16xi32>,
      %get3A_652 = arith.constant 0 : i32
      %get3A_653 = arith.constant 3 : i32
      %get3A_654 = arith.index_cast %get3A_652 : i32 to index
      %get3A_655 = arith.index_cast %get3A_653 : i32 to index
      %get3A_656 = arith.constant 96 : index
      %get3A_657 = tpu.vector_load %arg5[%get3A_654, %get3A_655, %get3A_656] {strides = array<i32>} : memref<2x4x128xi32, #tpu.memory_space<vmem>>, vector<16xi32>,
      %mul3A_658 = arith.constant 2 : i32
      %mul3A_659 = vector.broadcast %mul3A_658 : i32 to vector<16xi32>
      %mul3A_660 = arith.muli %get3A_657, %mul3A_659 : vector<16xi32>
      %swap3A_661 = arith.constant 0 : i32
      %swap3A_662 = arith.constant 3 : i32
      %swap3A_663 = arith.index_cast %swap3A_661 : i32 to index
      %swap3A_664 = arith.index_cast %swap3A_662 : i32 to index
      %swap3A_665 = arith.constant 96 : index
      %swap3A_666 = tpu.vector_load %arg6[%swap3A_663, %swap3A_664, %swap3A_665] {strides = array<i32>} : memref<2x4x128xi32, #tpu.memory_space<vmem>>, vector<16xi32>,
      tpu.vector_store %arg6[%swap3A_663, %swap3A_664, %swap3A_665], %mul3A_660 {strides = array<i32>} : memref<2x4x128xi32, #tpu.memory_space<vmem>>, vector<16xi32>,
      %get3A_667 = arith.constant 0 : i32
      %get3A_668 = arith.constant 3 : i32
      %get3A_669 = arith.index_cast %get3A_667 : i32 to index
      %get3A_670 = arith.index_cast %get3A_668 : i32 to index
      %get3A_671 = arith.constant 112 : index
      %get3A_672 = tpu.vector_load %arg5[%get3A_669, %get3A_670, %get3A_671] {strides = array<i32>} : memref<2x4x128xi32, #tpu.memory_space<vmem>>, vector<16xi32>,
      %mul3A_673 = arith.constant 2 : i32
      %mul3A_674 = vector.broadcast %mul3A_673 : i32 to vector<16xi32>
      %mul3A_675 = arith.muli %get3A_672, %mul3A_674 : vector<16xi32>
      %swap3A_676 = arith.constant 0 : i32
      %swap3A_677 = arith.constant 3 : i32
      %swap3A_678 = arith.index_cast %swap3A_676 : i32 to index
      %swap3A_679 = arith.index_cast %swap3A_677 : i32 to index
      %swap3A_680 = arith.constant 112 : index
      %swap3A_681 = tpu.vector_load %arg6[%swap3A_678, %swap3A_679, %swap3A_680] {strides = array<i32>} : memref<2x4x128xi32, #tpu.memory_space<vmem>>, vector<16xi32>,
      tpu.vector_store %arg6[%swap3A_678, %swap3A_679, %swap3A_680], %mul3A_675 {strides = array<i32>} : memref<2x4x128xi32, #tpu.memory_space<vmem>>, vector<16xi32>,
      %ge3A = arith.constant 2 : i32
      %ge3A_682 = arith.cmpi sge, %add3A_186, %ge3A : i32
      %convert_element_type3A = arith.extui %ge3A_682 : i1 to i32
      %cond3A = arith.constant 0 : i32
      %cond3A_683 = arith.cmpi ne, %convert_element_type3A, %cond3A : i32
      scf.if %cond3A_683 {
        %mul3A_1371 = arith.constant 512 : i32
        %mul3A_1372 = arith.muli %add3A_186, %mul3A_1371 : i32
        %add3A_1373 = arith.addi %mul3A_2, %mul3A_1372 : i32
        %multiple_of3A_1374 = tpu.assume_multiple %add3A_1373, 512 : i32
        %dma_wait3A_1375 = arith.constant 0 : i32
        %dma_wait3A_1376 = arith.constant 0 : i32
        %dma_wait3A_1377 = arith.constant 0 : i32
        %dma_wait3A_1378 = tpu.memref_slice %arg7[%dma_wait3A_1375, %dma_wait3A_1376, %dma_wait3A_1377] : memref<2x512x64xf32, #tpu.memory_space<vmem>> -> memref<1x512x64xf32, #tpu.memory_space<vmem>>
        %dma_wait3A_1379 = tpu.memref_squeeze %dma_wait3A_1378 : memref<1x512x64xf32, #tpu.memory_space<vmem>> -> memref<512x64xf32, #tpu.memory_space<vmem>>
        %dma_wait3A_1380 = arith.constant 0 : i32
        %dma_wait3A_1381 = tpu.memref_slice %arg4[%multiple_of3A_1374, %dma_wait3A_1380] : memref<819200x128xf32, #tpu.memory_space<hbm>> -> memref<512x64xf32, #tpu.memory_space<hbm>>
        %dma_wait3A_1382 = arith.constant 0 : i32
        %dma_wait3A_1383 = tpu.memref_slice %arg4[%multiple_of3A_1374, %dma_wait3A_1382] : memref<819200x128xf32, #tpu.memory_space<hbm>> -> memref<512x64xf32, #tpu.memory_space<hbm>>
        %dma_wait3A_1384 = arith.constant 0 : i32
        %dma_wait3A_1385 = arith.constant 0 : i32
        %dma_wait3A_1386 = tpu.memref_slice %arg7[%dma_wait3A_1375, %dma_wait3A_1384, %dma_wait3A_1385] : memref<2x512x64xf32, #tpu.memory_space<vmem>> -> memref<1x512x64xf32, #tpu.memory_space<vmem>>
        %dma_wait3A_1387 = tpu.memref_squeeze %dma_wait3A_1386 : memref<1x512x64xf32, #tpu.memory_space<vmem>> -> memref<512x64xf32, #tpu.memory_space<vmem>>
        tpu.wait_dma2 semaphore(%arg12 : memref<!tpu.dma_semaphore, #tpu.memory_space<semaphore_mem>>) src(%dma_wait3A_1387 : memref<512x64xf32, #tpu.memory_space<vmem>>) dst(%dma_wait3A_1383 : memref<512x64xf32, #tpu.memory_space<hbm>>)
      } else {
      }
      %dma_start3A_684 = arith.constant 0 : i32
      %dma_start3A_685 = arith.constant 0 : i32
      %dma_start3A_686 = arith.constant 0 : i32
      %dma_start3A_687 = arith.constant 0 : i32
      %dma_start3A_688 = arith.constant 0 : i32
      %dma_start3A_689 = tpu.memref_slice %arg7[%dma_start3A_686, %dma_start3A_687, %dma_start3A_688] : memref<2x512x64xf32, #tpu.memory_space<vmem>> -> memref<1x512x64xf32, #tpu.memory_space<vmem>>
      %dma_start3A_690 = tpu.memref_squeeze %dma_start3A_689 : memref<1x512x64xf32, #tpu.memory_space<vmem>> -> memref<512x64xf32, #tpu.memory_space<vmem>>
      %dma_start3A_691 = arith.constant 0 : i32
      %dma_start3A_692 = arith.constant 0 : i32
      %dma_start3A_693 = tpu.memref_slice %dma_start3A_690[%dma_start3A_691, %dma_start3A_692] : memref<512x64xf32, #tpu.memory_space<vmem>> -> memref<128x64xf32, #tpu.memory_space<vmem>>
      %dma_start3A_694 = arith.constant 0 : i32
      %dma_start3A_695 = arith.constant 0 : i32
      %dma_start3A_696 = tpu.memref_slice %arg6[%dma_start3A_684, %dma_start3A_694, %dma_start3A_695] : memref<2x4x128xi32, #tpu.memory_space<vmem>> -> memref<1x4x128xi32, #tpu.memory_space<vmem>>
      %dma_start3A_697 = tpu.memref_squeeze %dma_start3A_696 : memref<1x4x128xi32, #tpu.memory_space<vmem>> -> memref<4x128xi32, #tpu.memory_space<vmem>>
      %dma_start3A_698 = arith.constant 0 : i32
      %dma_start3A_699 = tpu.memref_slice %dma_start3A_697[%dma_start3A_685, %dma_start3A_698] : memref<4x128xi32, #tpu.memory_space<vmem>> -> memref<1x128xi32, #tpu.memory_space<vmem>>
      %dma_start3A_700 = tpu.memref_squeeze %dma_start3A_699 : memref<1x128xi32, #tpu.memory_space<vmem>> -> memref<128xi32, #tpu.memory_space<vmem>>
      %dma_start3A_701 = arith.constant 0 : i32
      %dma_start3A_702 = arith.constant 0 : i32
      %dma_start3A_703 = tpu.memref_slice %arg3[%dma_start3A_701, %dma_start3A_702] : memref<2000000x64xf32, #tpu.memory_space<hbm>> -> memref<2000000x64xf32, #tpu.memory_space<hbm>>
      tpu.enqueue_indirect_dma source(%dma_start3A_703 : memref<2000000x64xf32, #tpu.memory_space<hbm>>) target(%dma_start3A_693 : memref<128x64xf32, #tpu.memory_space<vmem>>) offsets(%dma_start3A_700 : memref<128xi32, #tpu.memory_space<vmem>>) semaphore(%arg10 : memref<!tpu.dma_semaphore, #tpu.memory_space<semaphore_mem>>)
      %dma_start3A_704 = arith.constant 0 : i32
      %dma_start3A_705 = arith.constant 1 : i32
      %dma_start3A_706 = arith.constant 0 : i32
      %dma_start3A_707 = arith.constant 0 : i32
      %dma_start3A_708 = arith.constant 0 : i32
      %dma_start3A_709 = tpu.memref_slice %arg7[%dma_start3A_706, %dma_start3A_707, %dma_start3A_708] : memref<2x512x64xf32, #tpu.memory_space<vmem>> -> memref<1x512x64xf32, #tpu.memory_space<vmem>>
      %dma_start3A_710 = tpu.memref_squeeze %dma_start3A_709 : memref<1x512x64xf32, #tpu.memory_space<vmem>> -> memref<512x64xf32, #tpu.memory_space<vmem>>
      %dma_start3A_711 = arith.constant 128 : i32
      %dma_start3A_712 = arith.constant 0 : i32
      %dma_start3A_713 = tpu.memref_slice %dma_start3A_710[%dma_start3A_711, %dma_start3A_712] : memref<512x64xf32, #tpu.memory_space<vmem>> -> memref<128x64xf32, #tpu.memory_space<vmem>>
      %dma_start3A_714 = arith.constant 0 : i32
      %dma_start3A_715 = arith.constant 0 : i32
      %dma_start3A_716 = tpu.memref_slice %arg6[%dma_start3A_704, %dma_start3A_714, %dma_start3A_715] : memref<2x4x128xi32, #tpu.memory_space<vmem>> -> memref<1x4x128xi32, #tpu.memory_space<vmem>>
      %dma_start3A_717 = tpu.memref_squeeze %dma_start3A_716 : memref<1x4x128xi32, #tpu.memory_space<vmem>> -> memref<4x128xi32, #tpu.memory_space<vmem>>
      %dma_start3A_718 = arith.constant 0 : i32
      %dma_start3A_719 = tpu.memref_slice %dma_start3A_717[%dma_start3A_705, %dma_start3A_718] : memref<4x128xi32, #tpu.memory_space<vmem>> -> memref<1x128xi32, #tpu.memory_space<vmem>>
      %dma_start3A_720 = tpu.memref_squeeze %dma_start3A_719 : memref<1x128xi32, #tpu.memory_space<vmem>> -> memref<128xi32, #tpu.memory_space<vmem>>
      %dma_start3A_721 = arith.constant 0 : i32
      %dma_start3A_722 = arith.constant 0 : i32
      %dma_start3A_723 = tpu.memref_slice %arg3[%dma_start3A_721, %dma_start3A_722] : memref<2000000x64xf32, #tpu.memory_space<hbm>> -> memref<2000000x64xf32, #tpu.memory_space<hbm>>
      tpu.enqueue_indirect_dma source(%dma_start3A_723 : memref<2000000x64xf32, #tpu.memory_space<hbm>>) target(%dma_start3A_713 : memref<128x64xf32, #tpu.memory_space<vmem>>) offsets(%dma_start3A_720 : memref<128xi32, #tpu.memory_space<vmem>>) semaphore(%arg10 : memref<!tpu.dma_semaphore, #tpu.memory_space<semaphore_mem>>)
      %dma_start3A_724 = arith.constant 0 : i32
      %dma_start3A_725 = arith.constant 2 : i32
      %dma_start3A_726 = arith.constant 0 : i32
      %dma_start3A_727 = arith.constant 0 : i32
      %dma_start3A_728 = arith.constant 0 : i32
      %dma_start3A_729 = tpu.memref_slice %arg7[%dma_start3A_726, %dma_start3A_727, %dma_start3A_728] : memref<2x512x64xf32, #tpu.memory_space<vmem>> -> memref<1x512x64xf32, #tpu.memory_space<vmem>>
      %dma_start3A_730 = tpu.memref_squeeze %dma_start3A_729 : memref<1x512x64xf32, #tpu.memory_space<vmem>> -> memref<512x64xf32, #tpu.memory_space<vmem>>
      %dma_start3A_731 = arith.constant 256 : i32
      %dma_start3A_732 = arith.constant 0 : i32
      %dma_start3A_733 = tpu.memref_slice %dma_start3A_730[%dma_start3A_731, %dma_start3A_732] : memref<512x64xf32, #tpu.memory_space<vmem>> -> memref<128x64xf32, #tpu.memory_space<vmem>>
      %dma_start3A_734 = arith.constant 0 : i32
      %dma_start3A_735 = arith.constant 0 : i32
      %dma_start3A_736 = tpu.memref_slice %arg6[%dma_start3A_724, %dma_start3A_734, %dma_start3A_735] : memref<2x4x128xi32, #tpu.memory_space<vmem>> -> memref<1x4x128xi32, #tpu.memory_space<vmem>>
      %dma_start3A_737 = tpu.memref_squeeze %dma_start3A_736 : memref<1x4x128xi32, #tpu.memory_space<vmem>> -> memref<4x128xi32, #tpu.memory_space<vmem>>
      %dma_start3A_738 = arith.constant 0 : i32
      %dma_start3A_739 = tpu.memref_slice %dma_start3A_737[%dma_start3A_725, %dma_start3A_738] : memref<4x128xi32, #tpu.memory_space<vmem>> -> memref<1x128xi32, #tpu.memory_space<vmem>>
      %dma_start3A_740 = tpu.memref_squeeze %dma_start3A_739 : memref<1x128xi32, #tpu.memory_space<vmem>> -> memref<128xi32, #tpu.memory_space<vmem>>
      %dma_start3A_741 = arith.constant 0 : i32
      %dma_start3A_742 = arith.constant 0 : i32
      %dma_start3A_743 = tpu.memref_slice %arg3[%dma_start3A_741, %dma_start3A_742] : memref<2000000x64xf32, #tpu.memory_space<hbm>> -> memref<2000000x64xf32, #tpu.memory_space<hbm>>
      tpu.enqueue_indirect_dma source(%dma_start3A_743 : memref<2000000x64xf32, #tpu.memory_space<hbm>>) target(%dma_start3A_733 : memref<128x64xf32, #tpu.memory_space<vmem>>) offsets(%dma_start3A_740 : memref<128xi32, #tpu.memory_space<vmem>>) semaphore(%arg10 : memref<!tpu.dma_semaphore, #tpu.memory_space<semaphore_mem>>)
      %dma_start3A_744 = arith.constant 0 : i32
      %dma_start3A_745 = arith.constant 3 : i32
      %dma_start3A_746 = arith.constant 0 : i32
      %dma_start3A_747 = arith.constant 0 : i32
      %dma_start3A_748 = arith.constant 0 : i32
      %dma_start3A_749 = tpu.memref_slice %arg7[%dma_start3A_746, %dma_start3A_747, %dma_start3A_748] : memref<2x512x64xf32, #tpu.memory_space<vmem>> -> memref<1x512x64xf32, #tpu.memory_space<vmem>>
      %dma_start3A_750 = tpu.memref_squeeze %dma_start3A_749 : memref<1x512x64xf32, #tpu.memory_space<vmem>> -> memref<512x64xf32, #tpu.memory_space<vmem>>
      %dma_start3A_751 = arith.constant 384 : i32
      %dma_start3A_752 = arith.constant 0 : i32
      %dma_start3A_753 = tpu.memref_slice %dma_start3A_750[%dma_start3A_751, %dma_start3A_752] : memref<512x64xf32, #tpu.memory_space<vmem>> -> memref<128x64xf32, #tpu.memory_space<vmem>>
      %dma_start3A_754 = arith.constant 0 : i32
      %dma_start3A_755 = arith.constant 0 : i32
      %dma_start3A_756 = tpu.memref_slice %arg6[%dma_start3A_744, %dma_start3A_754, %dma_start3A_755] : memref<2x4x128xi32, #tpu.memory_space<vmem>> -> memref<1x4x128xi32, #tpu.memory_space<vmem>>
      %dma_start3A_757 = tpu.memref_squeeze %dma_start3A_756 : memref<1x4x128xi32, #tpu.memory_space<vmem>> -> memref<4x128xi32, #tpu.memory_space<vmem>>
      %dma_start3A_758 = arith.constant 0 : i32
      %dma_start3A_759 = tpu.memref_slice %dma_start3A_757[%dma_start3A_745, %dma_start3A_758] : memref<4x128xi32, #tpu.memory_space<vmem>> -> memref<1x128xi32, #tpu.memory_space<vmem>>
      %dma_start3A_760 = tpu.memref_squeeze %dma_start3A_759 : memref<1x128xi32, #tpu.memory_space<vmem>> -> memref<128xi32, #tpu.memory_space<vmem>>
      %dma_start3A_761 = arith.constant 0 : i32
      %dma_start3A_762 = arith.constant 0 : i32
      %dma_start3A_763 = tpu.memref_slice %arg3[%dma_start3A_761, %dma_start3A_762] : memref<2000000x64xf32, #tpu.memory_space<hbm>> -> memref<2000000x64xf32, #tpu.memory_space<hbm>>
      tpu.enqueue_indirect_dma source(%dma_start3A_763 : memref<2000000x64xf32, #tpu.memory_space<hbm>>) target(%dma_start3A_753 : memref<128x64xf32, #tpu.memory_space<vmem>>) offsets(%dma_start3A_760 : memref<128xi32, #tpu.memory_space<vmem>>) semaphore(%arg10 : memref<!tpu.dma_semaphore, #tpu.memory_space<semaphore_mem>>)
      %add3A_764 = arith.constant 2 : i32
      %add3A_765 = arith.addi %add3A_186, %add3A_764 : i32
      %lt3A = arith.constant 50 : i32
      %lt3A_766 = arith.cmpi slt, %add3A_765, %lt3A : i32
      %convert_element_type3A_767 = arith.extui %lt3A_766 : i1 to i32
      %cond3A_768 = arith.constant 0 : i32
      %cond3A_769 = arith.cmpi ne, %convert_element_type3A_767, %cond3A_768 : i32
      scf.if %cond3A_769 {
        %add3A_1371 = arith.constant 2 : i32
        %add3A_1372 = arith.addi %add3A_186, %add3A_1371 : i32
        %mul3A_1373 = arith.constant 4 : i32
        %mul3A_1374 = arith.muli %add3A_1372, %mul3A_1373 : i32
        %add3A_1375 = arith.addi %select_n3A, %mul3A_1374 : i32
        %multiple_of3A_1376 = tpu.assume_multiple %add3A_1375, 4 : i32
        %dma_start3A_1377 = arith.constant 0 : i32
        %dma_start3A_1378 = arith.constant 0 : i32
        %dma_start3A_1379 = arith.constant 0 : i32
        %dma_start3A_1380 = tpu.memref_slice %arg5[%dma_start3A_1377, %dma_start3A_1378, %dma_start3A_1379] : memref<2x4x128xi32, #tpu.memory_space<vmem>> -> memref<1x4x128xi32, #tpu.memory_space<vmem>>
        %dma_start3A_1381 = tpu.memref_squeeze %dma_start3A_1380 : memref<1x4x128xi32, #tpu.memory_space<vmem>> -> memref<4x128xi32, #tpu.memory_space<vmem>>
        %dma_start3A_1382 = arith.constant 0 : i32
        %dma_start3A_1383 = tpu.memref_slice %arg2[%multiple_of3A_1376, %dma_start3A_1382] : memref<6400x128xi32, #tpu.memory_space<hbm>> -> memref<4x128xi32, #tpu.memory_space<hbm>>
        %dma_start3A_1384 = arith.constant 0 : i32
        %dma_start3A_1385 = arith.constant 0 : i32
        %dma_start3A_1386 = tpu.memref_slice %arg5[%dma_start3A_1377, %dma_start3A_1384, %dma_start3A_1385] : memref<2x4x128xi32, #tpu.memory_space<vmem>> -> memref<1x4x128xi32, #tpu.memory_space<vmem>>
        %dma_start3A_1387 = tpu.memref_squeeze %dma_start3A_1386 : memref<1x4x128xi32, #tpu.memory_space<vmem>> -> memref<4x128xi32, #tpu.memory_space<vmem>>
        %dma_start3A_1388 = arith.constant 0 : i32
        %dma_start3A_1389 = tpu.memref_slice %arg2[%multiple_of3A_1376, %dma_start3A_1388] : memref<6400x128xi32, #tpu.memory_space<hbm>> -> memref<4x128xi32, #tpu.memory_space<hbm>>
        tpu.enqueue_dma source(%dma_start3A_1389 : memref<4x128xi32, #tpu.memory_space<hbm>>) target(%dma_start3A_1387 : memref<4x128xi32, #tpu.memory_space<vmem>>) target_semaphore(%arg8 : memref<!tpu.dma_semaphore, #tpu.memory_space<semaphore_mem>>)
      } else {
      }
      %ge3A_770 = arith.constant 1 : i32
      %ge3A_771 = arith.cmpi sge, %add3A_186, %ge3A_770 : i32
      %convert_element_type3A_772 = arith.extui %ge3A_771 : i1 to i32
      %cond3A_773 = arith.constant 0 : i32
      %cond3A_774 = arith.cmpi ne, %convert_element_type3A_772, %cond3A_773 : i32
      scf.if %cond3A_774 {
        %dma_wait3A_1371 = arith.constant 1 : i32
        %dma_wait3A_1372 = arith.constant 0 : i32
        %dma_wait3A_1373 = arith.constant 1 : i32
        %dma_wait3A_1374 = arith.constant 0 : i32
        %dma_wait3A_1375 = arith.constant 0 : i32
        %dma_wait3A_1376 = tpu.memref_slice %arg7[%dma_wait3A_1373, %dma_wait3A_1374, %dma_wait3A_1375] : memref<2x512x64xf32, #tpu.memory_space<vmem>> -> memref<1x512x64xf32, #tpu.memory_space<vmem>>
        %dma_wait3A_1377 = tpu.memref_squeeze %dma_wait3A_1376 : memref<1x512x64xf32, #tpu.memory_space<vmem>> -> memref<512x64xf32, #tpu.memory_space<vmem>>
        %dma_wait3A_1378 = arith.constant 0 : i32
        %dma_wait3A_1379 = arith.constant 0 : i32
        %dma_wait3A_1380 = tpu.memref_slice %dma_wait3A_1377[%dma_wait3A_1378, %dma_wait3A_1379] : memref<512x64xf32, #tpu.memory_space<vmem>> -> memref<128x64xf32, #tpu.memory_space<vmem>>
        %dma_wait3A_1381 = arith.constant 0 : i32
        %dma_wait3A_1382 = arith.constant 0 : i32
        %dma_wait3A_1383 = tpu.memref_slice %arg6[%dma_wait3A_1371, %dma_wait3A_1381, %dma_wait3A_1382] : memref<2x4x128xi32, #tpu.memory_space<vmem>> -> memref<1x4x128xi32, #tpu.memory_space<vmem>>
        %dma_wait3A_1384 = tpu.memref_squeeze %dma_wait3A_1383 : memref<1x4x128xi32, #tpu.memory_space<vmem>> -> memref<4x128xi32, #tpu.memory_space<vmem>>
        %dma_wait3A_1385 = arith.constant 0 : i32
        %dma_wait3A_1386 = tpu.memref_slice %dma_wait3A_1384[%dma_wait3A_1372, %dma_wait3A_1385] : memref<4x128xi32, #tpu.memory_space<vmem>> -> memref<1x128xi32, #tpu.memory_space<vmem>>
        %dma_wait3A_1387 = tpu.memref_squeeze %dma_wait3A_1386 : memref<1x128xi32, #tpu.memory_space<vmem>> -> memref<128xi32, #tpu.memory_space<vmem>>
        %dma_wait3A_1388 = arith.constant 0 : i32
        %dma_wait3A_1389 = arith.constant 0 : i32
        %dma_wait3A_1390 = tpu.memref_slice %arg3[%dma_wait3A_1388, %dma_wait3A_1389] : memref<2000000x64xf32, #tpu.memory_space<hbm>> -> memref<2000000x64xf32, #tpu.memory_space<hbm>>
        tpu.wait_indirect_dma semaphore(%arg11 : memref<!tpu.dma_semaphore, #tpu.memory_space<semaphore_mem>>) src(%dma_wait3A_1390 : memref<2000000x64xf32, #tpu.memory_space<hbm>>) dst(%dma_wait3A_1380 : memref<128x64xf32, #tpu.memory_space<vmem>>)
        %dma_wait3A_1391 = arith.constant 1 : i32
        %dma_wait3A_1392 = arith.constant 1 : i32
        %dma_wait3A_1393 = arith.constant 1 : i32
        %dma_wait3A_1394 = arith.constant 0 : i32
        %dma_wait3A_1395 = arith.constant 0 : i32
        %dma_wait3A_1396 = tpu.memref_slice %arg7[%dma_wait3A_1393, %dma_wait3A_1394, %dma_wait3A_1395] : memref<2x512x64xf32, #tpu.memory_space<vmem>> -> memref<1x512x64xf32, #tpu.memory_space<vmem>>
        %dma_wait3A_1397 = tpu.memref_squeeze %dma_wait3A_1396 : memref<1x512x64xf32, #tpu.memory_space<vmem>> -> memref<512x64xf32, #tpu.memory_space<vmem>>
        %dma_wait3A_1398 = arith.constant 128 : i32
        %dma_wait3A_1399 = arith.constant 0 : i32
        %dma_wait3A_1400 = tpu.memref_slice %dma_wait3A_1397[%dma_wait3A_1398, %dma_wait3A_1399] : memref<512x64xf32, #tpu.memory_space<vmem>> -> memref<128x64xf32, #tpu.memory_space<vmem>>
        %dma_wait3A_1401 = arith.constant 0 : i32
        %dma_wait3A_1402 = arith.constant 0 : i32
        %dma_wait3A_1403 = tpu.memref_slice %arg6[%dma_wait3A_1391, %dma_wait3A_1401, %dma_wait3A_1402] : memref<2x4x128xi32, #tpu.memory_space<vmem>> -> memref<1x4x128xi32, #tpu.memory_space<vmem>>
        %dma_wait3A_1404 = tpu.memref_squeeze %dma_wait3A_1403 : memref<1x4x128xi32, #tpu.memory_space<vmem>> -> memref<4x128xi32, #tpu.memory_space<vmem>>
        %dma_wait3A_1405 = arith.constant 0 : i32
        %dma_wait3A_1406 = tpu.memref_slice %dma_wait3A_1404[%dma_wait3A_1392, %dma_wait3A_1405] : memref<4x128xi32, #tpu.memory_space<vmem>> -> memref<1x128xi32, #tpu.memory_space<vmem>>
        %dma_wait3A_1407 = tpu.memref_squeeze %dma_wait3A_1406 : memref<1x128xi32, #tpu.memory_space<vmem>> -> memref<128xi32, #tpu.memory_space<vmem>>
        %dma_wait3A_1408 = arith.constant 0 : i32
        %dma_wait3A_1409 = arith.constant 0 : i32
        %dma_wait3A_1410 = tpu.memref_slice %arg3[%dma_wait3A_1408, %dma_wait3A_1409] : memref<2000000x64xf32, #tpu.memory_space<hbm>> -> memref<2000000x64xf32, #tpu.memory_space<hbm>>
        tpu.wait_indirect_dma semaphore(%arg11 : memref<!tpu.dma_semaphore, #tpu.memory_space<semaphore_mem>>) src(%dma_wait3A_1410 : memref<2000000x64xf32, #tpu.memory_space<hbm>>) dst(%dma_wait3A_1400 : memref<128x64xf32, #tpu.memory_space<vmem>>)
        %dma_wait3A_1411 = arith.constant 1 : i32
        %dma_wait3A_1412 = arith.constant 2 : i32
        %dma_wait3A_1413 = arith.constant 1 : i32
        %dma_wait3A_1414 = arith.constant 0 : i32
        %dma_wait3A_1415 = arith.constant 0 : i32
        %dma_wait3A_1416 = tpu.memref_slice %arg7[%dma_wait3A_1413, %dma_wait3A_1414, %dma_wait3A_1415] : memref<2x512x64xf32, #tpu.memory_space<vmem>> -> memref<1x512x64xf32, #tpu.memory_space<vmem>>
        %dma_wait3A_1417 = tpu.memref_squeeze %dma_wait3A_1416 : memref<1x512x64xf32, #tpu.memory_space<vmem>> -> memref<512x64xf32, #tpu.memory_space<vmem>>
        %dma_wait3A_1418 = arith.constant 256 : i32
        %dma_wait3A_1419 = arith.constant 0 : i32
        %dma_wait3A_1420 = tpu.memref_slice %dma_wait3A_1417[%dma_wait3A_1418, %dma_wait3A_1419] : memref<512x64xf32, #tpu.memory_space<vmem>> -> memref<128x64xf32, #tpu.memory_space<vmem>>
        %dma_wait3A_1421 = arith.constant 0 : i32
        %dma_wait3A_1422 = arith.constant 0 : i32
        %dma_wait3A_1423 = tpu.memref_slice %arg6[%dma_wait3A_1411, %dma_wait3A_1421, %dma_wait3A_1422] : memref<2x4x128xi32, #tpu.memory_space<vmem>> -> memref<1x4x128xi32, #tpu.memory_space<vmem>>
        %dma_wait3A_1424 = tpu.memref_squeeze %dma_wait3A_1423 : memref<1x4x128xi32, #tpu.memory_space<vmem>> -> memref<4x128xi32, #tpu.memory_space<vmem>>
        %dma_wait3A_1425 = arith.constant 0 : i32
        %dma_wait3A_1426 = tpu.memref_slice %dma_wait3A_1424[%dma_wait3A_1412, %dma_wait3A_1425] : memref<4x128xi32, #tpu.memory_space<vmem>> -> memref<1x128xi32, #tpu.memory_space<vmem>>
        %dma_wait3A_1427 = tpu.memref_squeeze %dma_wait3A_1426 : memref<1x128xi32, #tpu.memory_space<vmem>> -> memref<128xi32, #tpu.memory_space<vmem>>
        %dma_wait3A_1428 = arith.constant 0 : i32
        %dma_wait3A_1429 = arith.constant 0 : i32
        %dma_wait3A_1430 = tpu.memref_slice %arg3[%dma_wait3A_1428, %dma_wait3A_1429] : memref<2000000x64xf32, #tpu.memory_space<hbm>> -> memref<2000000x64xf32, #tpu.memory_space<hbm>>
        tpu.wait_indirect_dma semaphore(%arg11 : memref<!tpu.dma_semaphore, #tpu.memory_space<semaphore_mem>>) src(%dma_wait3A_1430 : memref<2000000x64xf32, #tpu.memory_space<hbm>>) dst(%dma_wait3A_1420 : memref<128x64xf32, #tpu.memory_space<vmem>>)
        %dma_wait3A_1431 = arith.constant 1 : i32
        %dma_wait3A_1432 = arith.constant 3 : i32
        %dma_wait3A_1433 = arith.constant 1 : i32
        %dma_wait3A_1434 = arith.constant 0 : i32
        %dma_wait3A_1435 = arith.constant 0 : i32
        %dma_wait3A_1436 = tpu.memref_slice %arg7[%dma_wait3A_1433, %dma_wait3A_1434, %dma_wait3A_1435] : memref<2x512x64xf32, #tpu.memory_space<vmem>> -> memref<1x512x64xf32, #tpu.memory_space<vmem>>
        %dma_wait3A_1437 = tpu.memref_squeeze %dma_wait3A_1436 : memref<1x512x64xf32, #tpu.memory_space<vmem>> -> memref<512x64xf32, #tpu.memory_space<vmem>>
        %dma_wait3A_1438 = arith.constant 384 : i32
        %dma_wait3A_1439 = arith.constant 0 : i32
        %dma_wait3A_1440 = tpu.memref_slice %dma_wait3A_1437[%dma_wait3A_1438, %dma_wait3A_1439] : memref<512x64xf32, #tpu.memory_space<vmem>> -> memref<128x64xf32, #tpu.memory_space<vmem>>
        %dma_wait3A_1441 = arith.constant 0 : i32
        %dma_wait3A_1442 = arith.constant 0 : i32
        %dma_wait3A_1443 = tpu.memref_slice %arg6[%dma_wait3A_1431, %dma_wait3A_1441, %dma_wait3A_1442] : memref<2x4x128xi32, #tpu.memory_space<vmem>> -> memref<1x4x128xi32, #tpu.memory_space<vmem>>
        %dma_wait3A_1444 = tpu.memref_squeeze %dma_wait3A_1443 : memref<1x4x128xi32, #tpu.memory_space<vmem>> -> memref<4x128xi32, #tpu.memory_space<vmem>>
        %dma_wait3A_1445 = arith.constant 0 : i32
        %dma_wait3A_1446 = tpu.memref_slice %dma_wait3A_1444[%dma_wait3A_1432, %dma_wait3A_1445] : memref<4x128xi32, #tpu.memory_space<vmem>> -> memref<1x128xi32, #tpu.memory_space<vmem>>
        %dma_wait3A_1447 = tpu.memref_squeeze %dma_wait3A_1446 : memref<1x128xi32, #tpu.memory_space<vmem>> -> memref<128xi32, #tpu.memory_space<vmem>>
        %dma_wait3A_1448 = arith.constant 0 : i32
        %dma_wait3A_1449 = arith.constant 0 : i32
        %dma_wait3A_1450 = tpu.memref_slice %arg3[%dma_wait3A_1448, %dma_wait3A_1449] : memref<2000000x64xf32, #tpu.memory_space<hbm>> -> memref<2000000x64xf32, #tpu.memory_space<hbm>>
        tpu.wait_indirect_dma semaphore(%arg11 : memref<!tpu.dma_semaphore, #tpu.memory_space<semaphore_mem>>) src(%dma_wait3A_1450 : memref<2000000x64xf32, #tpu.memory_space<hbm>>) dst(%dma_wait3A_1440 : memref<128x64xf32, #tpu.memory_space<vmem>>)
        %sub3A_1451 = arith.constant 1 : i32
        %sub3A_1452 = arith.subi %add3A_186, %sub3A_1451 : i32
        %mul3A_1453 = arith.constant 512 : i32
        %mul3A_1454 = arith.muli %sub3A_1452, %mul3A_1453 : i32
        %add3A_1455 = arith.addi %mul3A_2, %mul3A_1454 : i32
        %multiple_of3A_1456 = tpu.assume_multiple %add3A_1455, 512 : i32
        %dma_start3A_1457 = arith.constant 1 : i32
        %dma_start3A_1458 = arith.constant 0 : i32
        %dma_start3A_1459 = arith.constant 0 : i32
        %dma_start3A_1460 = tpu.memref_slice %arg7[%dma_start3A_1457, %dma_start3A_1458, %dma_start3A_1459] : memref<2x512x64xf32, #tpu.memory_space<vmem>> -> memref<1x512x64xf32, #tpu.memory_space<vmem>>
        %dma_start3A_1461 = tpu.memref_squeeze %dma_start3A_1460 : memref<1x512x64xf32, #tpu.memory_space<vmem>> -> memref<512x64xf32, #tpu.memory_space<vmem>>
        %dma_start3A_1462 = arith.constant 0 : i32
        %dma_start3A_1463 = tpu.memref_slice %arg4[%multiple_of3A_1456, %dma_start3A_1462] : memref<819200x128xf32, #tpu.memory_space<hbm>> -> memref<512x64xf32, #tpu.memory_space<hbm>>
        %dma_start3A_1464 = arith.constant 0 : i32
        %dma_start3A_1465 = tpu.memref_slice %arg4[%multiple_of3A_1456, %dma_start3A_1464] : memref<819200x128xf32, #tpu.memory_space<hbm>> -> memref<512x64xf32, #tpu.memory_space<hbm>>
        %dma_start3A_1466 = arith.constant 0 : i32
        %dma_start3A_1467 = arith.constant 0 : i32
        %dma_start3A_1468 = tpu.memref_slice %arg7[%dma_start3A_1457, %dma_start3A_1466, %dma_start3A_1467] : memref<2x512x64xf32, #tpu.memory_space<vmem>> -> memref<1x512x64xf32, #tpu.memory_space<vmem>>
        %dma_start3A_1469 = tpu.memref_squeeze %dma_start3A_1468 : memref<1x512x64xf32, #tpu.memory_space<vmem>> -> memref<512x64xf32, #tpu.memory_space<vmem>>
        tpu.enqueue_dma source(%dma_start3A_1469 : memref<512x64xf32, #tpu.memory_space<vmem>>) target(%dma_start3A_1465 : memref<512x64xf32, #tpu.memory_space<hbm>>) target_semaphore(%arg13 : memref<!tpu.dma_semaphore, #tpu.memory_space<semaphore_mem>>)
      } else {
      }
      %add3A_775 = arith.constant 1 : i32
      %add3A_776 = arith.addi %add3A_184, %add3A_775 : i32
      %mul3A_777 = arith.constant 4 : i32
      %mul3A_778 = arith.muli %add3A_776, %mul3A_777 : i32
      %add3A_779 = arith.addi %select_n3A, %mul3A_778 : i32
      %multiple_of3A_780 = tpu.assume_multiple %add3A_779, 4 : i32
      %dma_wait3A_781 = arith.constant 1 : i32
      %dma_wait3A_782 = arith.constant 0 : i32
      %dma_wait3A_783 = arith.constant 0 : i32
      %dma_wait3A_784 = tpu.memref_slice %arg5[%dma_wait3A_781, %dma_wait3A_782, %dma_wait3A_783] : memref<2x4x128xi32, #tpu.memory_space<vmem>> -> memref<1x4x128xi32, #tpu.memory_space<vmem>>
      %dma_wait3A_785 = tpu.memref_squeeze %dma_wait3A_784 : memref<1x4x128xi32, #tpu.memory_space<vmem>> -> memref<4x128xi32, #tpu.memory_space<vmem>>
      %dma_wait3A_786 = arith.constant 0 : i32
      %dma_wait3A_787 = tpu.memref_slice %arg2[%multiple_of3A_780, %dma_wait3A_786] : memref<6400x128xi32, #tpu.memory_space<hbm>> -> memref<4x128xi32, #tpu.memory_space<hbm>>
      %dma_wait3A_788 = arith.constant 0 : i32
      %dma_wait3A_789 = arith.constant 0 : i32
      %dma_wait3A_790 = tpu.memref_slice %arg5[%dma_wait3A_781, %dma_wait3A_788, %dma_wait3A_789] : memref<2x4x128xi32, #tpu.memory_space<vmem>> -> memref<1x4x128xi32, #tpu.memory_space<vmem>>
      %dma_wait3A_791 = tpu.memref_squeeze %dma_wait3A_790 : memref<1x4x128xi32, #tpu.memory_space<vmem>> -> memref<4x128xi32, #tpu.memory_space<vmem>>
      %dma_wait3A_792 = arith.constant 0 : i32
      %dma_wait3A_793 = tpu.memref_slice %arg2[%multiple_of3A_780, %dma_wait3A_792] : memref<6400x128xi32, #tpu.memory_space<hbm>> -> memref<4x128xi32, #tpu.memory_space<hbm>>
      tpu.wait_dma2 semaphore(%arg9 : memref<!tpu.dma_semaphore, #tpu.memory_space<semaphore_mem>>) src(%dma_wait3A_793 : memref<4x128xi32, #tpu.memory_space<hbm>>) dst(%dma_wait3A_791 : memref<4x128xi32, #tpu.memory_space<vmem>>)
      %get3A_794 = arith.constant 1 : i32
      %get3A_795 = arith.constant 0 : i32
      %get3A_796 = arith.index_cast %get3A_794 : i32 to index
      %get3A_797 = arith.index_cast %get3A_795 : i32 to index
      %get3A_798 = arith.constant 0 : index
      %get3A_799 = tpu.vector_load %arg5[%get3A_796, %get3A_797, %get3A_798] {strides = array<i32>} : memref<2x4x128xi32, #tpu.memory_space<vmem>>, vector<16xi32>,
      %mul3A_800 = arith.constant 2 : i32
      %mul3A_801 = vector.broadcast %mul3A_800 : i32 to vector<16xi32>
      %mul3A_802 = arith.muli %get3A_799, %mul3A_801 : vector<16xi32>
      %swap3A_803 = arith.constant 1 : i32
      %swap3A_804 = arith.constant 0 : i32
      %swap3A_805 = arith.index_cast %swap3A_803 : i32 to index
      %swap3A_806 = arith.index_cast %swap3A_804 : i32 to index
      %swap3A_807 = arith.constant 0 : index
      %swap3A_808 = tpu.vector_load %arg6[%swap3A_805, %swap3A_806, %swap3A_807] {strides = array<i32>} : memref<2x4x128xi32, #tpu.memory_space<vmem>>, vector<16xi32>,
      tpu.vector_store %arg6[%swap3A_805, %swap3A_806, %swap3A_807], %mul3A_802 {strides = array<i32>} : memref<2x4x128xi32, #tpu.memory_space<vmem>>, vector<16xi32>,
      %get3A_809 = arith.constant 1 : i32
      %get3A_810 = arith.constant 0 : i32
      %get3A_811 = arith.index_cast %get3A_809 : i32 to index
      %get3A_812 = arith.index_cast %get3A_810 : i32 to index
      %get3A_813 = arith.constant 16 : index
      %get3A_814 = tpu.vector_load %arg5[%get3A_811, %get3A_812, %get3A_813] {strides = array<i32>} : memref<2x4x128xi32, #tpu.memory_space<vmem>>, vector<16xi32>,
      %mul3A_815 = arith.constant 2 : i32
      %mul3A_816 = vector.broadcast %mul3A_815 : i32 to vector<16xi32>
      %mul3A_817 = arith.muli %get3A_814, %mul3A_816 : vector<16xi32>
      %swap3A_818 = arith.constant 1 : i32
      %swap3A_819 = arith.constant 0 : i32
      %swap3A_820 = arith.index_cast %swap3A_818 : i32 to index
      %swap3A_821 = arith.index_cast %swap3A_819 : i32 to index
      %swap3A_822 = arith.constant 16 : index
      %swap3A_823 = tpu.vector_load %arg6[%swap3A_820, %swap3A_821, %swap3A_822] {strides = array<i32>} : memref<2x4x128xi32, #tpu.memory_space<vmem>>, vector<16xi32>,
      tpu.vector_store %arg6[%swap3A_820, %swap3A_821, %swap3A_822], %mul3A_817 {strides = array<i32>} : memref<2x4x128xi32, #tpu.memory_space<vmem>>, vector<16xi32>,
      %get3A_824 = arith.constant 1 : i32
      %get3A_825 = arith.constant 0 : i32
      %get3A_826 = arith.index_cast %get3A_824 : i32 to index
      %get3A_827 = arith.index_cast %get3A_825 : i32 to index
      %get3A_828 = arith.constant 32 : index
      %get3A_829 = tpu.vector_load %arg5[%get3A_826, %get3A_827, %get3A_828] {strides = array<i32>} : memref<2x4x128xi32, #tpu.memory_space<vmem>>, vector<16xi32>,
      %mul3A_830 = arith.constant 2 : i32
      %mul3A_831 = vector.broadcast %mul3A_830 : i32 to vector<16xi32>
      %mul3A_832 = arith.muli %get3A_829, %mul3A_831 : vector<16xi32>
      %swap3A_833 = arith.constant 1 : i32
      %swap3A_834 = arith.constant 0 : i32
      %swap3A_835 = arith.index_cast %swap3A_833 : i32 to index
      %swap3A_836 = arith.index_cast %swap3A_834 : i32 to index
      %swap3A_837 = arith.constant 32 : index
      %swap3A_838 = tpu.vector_load %arg6[%swap3A_835, %swap3A_836, %swap3A_837] {strides = array<i32>} : memref<2x4x128xi32, #tpu.memory_space<vmem>>, vector<16xi32>,
      tpu.vector_store %arg6[%swap3A_835, %swap3A_836, %swap3A_837], %mul3A_832 {strides = array<i32>} : memref<2x4x128xi32, #tpu.memory_space<vmem>>, vector<16xi32>,
      %get3A_839 = arith.constant 1 : i32
      %get3A_840 = arith.constant 0 : i32
      %get3A_841 = arith.index_cast %get3A_839 : i32 to index
      %get3A_842 = arith.index_cast %get3A_840 : i32 to index
      %get3A_843 = arith.constant 48 : index
      %get3A_844 = tpu.vector_load %arg5[%get3A_841, %get3A_842, %get3A_843] {strides = array<i32>} : memref<2x4x128xi32, #tpu.memory_space<vmem>>, vector<16xi32>,
      %mul3A_845 = arith.constant 2 : i32
      %mul3A_846 = vector.broadcast %mul3A_845 : i32 to vector<16xi32>
      %mul3A_847 = arith.muli %get3A_844, %mul3A_846 : vector<16xi32>
      %swap3A_848 = arith.constant 1 : i32
      %swap3A_849 = arith.constant 0 : i32
      %swap3A_850 = arith.index_cast %swap3A_848 : i32 to index
      %swap3A_851 = arith.index_cast %swap3A_849 : i32 to index
      %swap3A_852 = arith.constant 48 : index
      %swap3A_853 = tpu.vector_load %arg6[%swap3A_850, %swap3A_851, %swap3A_852] {strides = array<i32>} : memref<2x4x128xi32, #tpu.memory_space<vmem>>, vector<16xi32>,
      tpu.vector_store %arg6[%swap3A_850, %swap3A_851, %swap3A_852], %mul3A_847 {strides = array<i32>} : memref<2x4x128xi32, #tpu.memory_space<vmem>>, vector<16xi32>,
      %get3A_854 = arith.constant 1 : i32
      %get3A_855 = arith.constant 0 : i32
      %get3A_856 = arith.index_cast %get3A_854 : i32 to index
      %get3A_857 = arith.index_cast %get3A_855 : i32 to index
      %get3A_858 = arith.constant 64 : index
      %get3A_859 = tpu.vector_load %arg5[%get3A_856, %get3A_857, %get3A_858] {strides = array<i32>} : memref<2x4x128xi32, #tpu.memory_space<vmem>>, vector<16xi32>,
      %mul3A_860 = arith.constant 2 : i32
      %mul3A_861 = vector.broadcast %mul3A_860 : i32 to vector<16xi32>
      %mul3A_862 = arith.muli %get3A_859, %mul3A_861 : vector<16xi32>
      %swap3A_863 = arith.constant 1 : i32
      %swap3A_864 = arith.constant 0 : i32
      %swap3A_865 = arith.index_cast %swap3A_863 : i32 to index
      %swap3A_866 = arith.index_cast %swap3A_864 : i32 to index
      %swap3A_867 = arith.constant 64 : index
      %swap3A_868 = tpu.vector_load %arg6[%swap3A_865, %swap3A_866, %swap3A_867] {strides = array<i32>} : memref<2x4x128xi32, #tpu.memory_space<vmem>>, vector<16xi32>,
      tpu.vector_store %arg6[%swap3A_865, %swap3A_866, %swap3A_867], %mul3A_862 {strides = array<i32>} : memref<2x4x128xi32, #tpu.memory_space<vmem>>, vector<16xi32>,
      %get3A_869 = arith.constant 1 : i32
      %get3A_870 = arith.constant 0 : i32
      %get3A_871 = arith.index_cast %get3A_869 : i32 to index
      %get3A_872 = arith.index_cast %get3A_870 : i32 to index
      %get3A_873 = arith.constant 80 : index
      %get3A_874 = tpu.vector_load %arg5[%get3A_871, %get3A_872, %get3A_873] {strides = array<i32>} : memref<2x4x128xi32, #tpu.memory_space<vmem>>, vector<16xi32>,
      %mul3A_875 = arith.constant 2 : i32
      %mul3A_876 = vector.broadcast %mul3A_875 : i32 to vector<16xi32>
      %mul3A_877 = arith.muli %get3A_874, %mul3A_876 : vector<16xi32>
      %swap3A_878 = arith.constant 1 : i32
      %swap3A_879 = arith.constant 0 : i32
      %swap3A_880 = arith.index_cast %swap3A_878 : i32 to index
      %swap3A_881 = arith.index_cast %swap3A_879 : i32 to index
      %swap3A_882 = arith.constant 80 : index
      %swap3A_883 = tpu.vector_load %arg6[%swap3A_880, %swap3A_881, %swap3A_882] {strides = array<i32>} : memref<2x4x128xi32, #tpu.memory_space<vmem>>, vector<16xi32>,
      tpu.vector_store %arg6[%swap3A_880, %swap3A_881, %swap3A_882], %mul3A_877 {strides = array<i32>} : memref<2x4x128xi32, #tpu.memory_space<vmem>>, vector<16xi32>,
      %get3A_884 = arith.constant 1 : i32
      %get3A_885 = arith.constant 0 : i32
      %get3A_886 = arith.index_cast %get3A_884 : i32 to index
      %get3A_887 = arith.index_cast %get3A_885 : i32 to index
      %get3A_888 = arith.constant 96 : index
      %get3A_889 = tpu.vector_load %arg5[%get3A_886, %get3A_887, %get3A_888] {strides = array<i32>} : memref<2x4x128xi32, #tpu.memory_space<vmem>>, vector<16xi32>,
      %mul3A_890 = arith.constant 2 : i32
      %mul3A_891 = vector.broadcast %mul3A_890 : i32 to vector<16xi32>
      %mul3A_892 = arith.muli %get3A_889, %mul3A_891 : vector<16xi32>
      %swap3A_893 = arith.constant 1 : i32
      %swap3A_894 = arith.constant 0 : i32
      %swap3A_895 = arith.index_cast %swap3A_893 : i32 to index
      %swap3A_896 = arith.index_cast %swap3A_894 : i32 to index
      %swap3A_897 = arith.constant 96 : index
      %swap3A_898 = tpu.vector_load %arg6[%swap3A_895, %swap3A_896, %swap3A_897] {strides = array<i32>} : memref<2x4x128xi32, #tpu.memory_space<vmem>>, vector<16xi32>,
      tpu.vector_store %arg6[%swap3A_895, %swap3A_896, %swap3A_897], %mul3A_892 {strides = array<i32>} : memref<2x4x128xi32, #tpu.memory_space<vmem>>, vector<16xi32>,
      %get3A_899 = arith.constant 1 : i32
      %get3A_900 = arith.constant 0 : i32
      %get3A_901 = arith.index_cast %get3A_899 : i32 to index
      %get3A_902 = arith.index_cast %get3A_900 : i32 to index
      %get3A_903 = arith.constant 112 : index
      %get3A_904 = tpu.vector_load %arg5[%get3A_901, %get3A_902, %get3A_903] {strides = array<i32>} : memref<2x4x128xi32, #tpu.memory_space<vmem>>, vector<16xi32>,
      %mul3A_905 = arith.constant 2 : i32
      %mul3A_906 = vector.broadcast %mul3A_905 : i32 to vector<16xi32>
      %mul3A_907 = arith.muli %get3A_904, %mul3A_906 : vector<16xi32>
      %swap3A_908 = arith.constant 1 : i32
      %swap3A_909 = arith.constant 0 : i32
      %swap3A_910 = arith.index_cast %swap3A_908 : i32 to index
      %swap3A_911 = arith.index_cast %swap3A_909 : i32 to index
      %swap3A_912 = arith.constant 112 : index
      %swap3A_913 = tpu.vector_load %arg6[%swap3A_910, %swap3A_911, %swap3A_912] {strides = array<i32>} : memref<2x4x128xi32, #tpu.memory_space<vmem>>, vector<16xi32>,
      tpu.vector_store %arg6[%swap3A_910, %swap3A_911, %swap3A_912], %mul3A_907 {strides = array<i32>} : memref<2x4x128xi32, #tpu.memory_space<vmem>>, vector<16xi32>,
      %get3A_914 = arith.constant 1 : i32
      %get3A_915 = arith.constant 1 : i32
      %get3A_916 = arith.index_cast %get3A_914 : i32 to index
      %get3A_917 = arith.index_cast %get3A_915 : i32 to index
      %get3A_918 = arith.constant 0 : index
      %get3A_919 = tpu.vector_load %arg5[%get3A_916, %get3A_917, %get3A_918] {strides = array<i32>} : memref<2x4x128xi32, #tpu.memory_space<vmem>>, vector<16xi32>,
      %mul3A_920 = arith.constant 2 : i32
      %mul3A_921 = vector.broadcast %mul3A_920 : i32 to vector<16xi32>
      %mul3A_922 = arith.muli %get3A_919, %mul3A_921 : vector<16xi32>
      %swap3A_923 = arith.constant 1 : i32
      %swap3A_924 = arith.constant 1 : i32
      %swap3A_925 = arith.index_cast %swap3A_923 : i32 to index
      %swap3A_926 = arith.index_cast %swap3A_924 : i32 to index
      %swap3A_927 = arith.constant 0 : index
      %swap3A_928 = tpu.vector_load %arg6[%swap3A_925, %swap3A_926, %swap3A_927] {strides = array<i32>} : memref<2x4x128xi32, #tpu.memory_space<vmem>>, vector<16xi32>,
      tpu.vector_store %arg6[%swap3A_925, %swap3A_926, %swap3A_927], %mul3A_922 {strides = array<i32>} : memref<2x4x128xi32, #tpu.memory_space<vmem>>, vector<16xi32>,
      %get3A_929 = arith.constant 1 : i32
      %get3A_930 = arith.constant 1 : i32
      %get3A_931 = arith.index_cast %get3A_929 : i32 to index
      %get3A_932 = arith.index_cast %get3A_930 : i32 to index
      %get3A_933 = arith.constant 16 : index
      %get3A_934 = tpu.vector_load %arg5[%get3A_931, %get3A_932, %get3A_933] {strides = array<i32>} : memref<2x4x128xi32, #tpu.memory_space<vmem>>, vector<16xi32>,
      %mul3A_935 = arith.constant 2 : i32
      %mul3A_936 = vector.broadcast %mul3A_935 : i32 to vector<16xi32>
      %mul3A_937 = arith.muli %get3A_934, %mul3A_936 : vector<16xi32>
      %swap3A_938 = arith.constant 1 : i32
      %swap3A_939 = arith.constant 1 : i32
      %swap3A_940 = arith.index_cast %swap3A_938 : i32 to index
      %swap3A_941 = arith.index_cast %swap3A_939 : i32 to index
      %swap3A_942 = arith.constant 16 : index
      %swap3A_943 = tpu.vector_load %arg6[%swap3A_940, %swap3A_941, %swap3A_942] {strides = array<i32>} : memref<2x4x128xi32, #tpu.memory_space<vmem>>, vector<16xi32>,
      tpu.vector_store %arg6[%swap3A_940, %swap3A_941, %swap3A_942], %mul3A_937 {strides = array<i32>} : memref<2x4x128xi32, #tpu.memory_space<vmem>>, vector<16xi32>,
      %get3A_944 = arith.constant 1 : i32
      %get3A_945 = arith.constant 1 : i32
      %get3A_946 = arith.index_cast %get3A_944 : i32 to index
      %get3A_947 = arith.index_cast %get3A_945 : i32 to index
      %get3A_948 = arith.constant 32 : index
      %get3A_949 = tpu.vector_load %arg5[%get3A_946, %get3A_947, %get3A_948] {strides = array<i32>} : memref<2x4x128xi32, #tpu.memory_space<vmem>>, vector<16xi32>,
      %mul3A_950 = arith.constant 2 : i32
      %mul3A_951 = vector.broadcast %mul3A_950 : i32 to vector<16xi32>
      %mul3A_952 = arith.muli %get3A_949, %mul3A_951 : vector<16xi32>
      %swap3A_953 = arith.constant 1 : i32
      %swap3A_954 = arith.constant 1 : i32
      %swap3A_955 = arith.index_cast %swap3A_953 : i32 to index
      %swap3A_956 = arith.index_cast %swap3A_954 : i32 to index
      %swap3A_957 = arith.constant 32 : index
      %swap3A_958 = tpu.vector_load %arg6[%swap3A_955, %swap3A_956, %swap3A_957] {strides = array<i32>} : memref<2x4x128xi32, #tpu.memory_space<vmem>>, vector<16xi32>,
      tpu.vector_store %arg6[%swap3A_955, %swap3A_956, %swap3A_957], %mul3A_952 {strides = array<i32>} : memref<2x4x128xi32, #tpu.memory_space<vmem>>, vector<16xi32>,
      %get3A_959 = arith.constant 1 : i32
      %get3A_960 = arith.constant 1 : i32
      %get3A_961 = arith.index_cast %get3A_959 : i32 to index
      %get3A_962 = arith.index_cast %get3A_960 : i32 to index
      %get3A_963 = arith.constant 48 : index
      %get3A_964 = tpu.vector_load %arg5[%get3A_961, %get3A_962, %get3A_963] {strides = array<i32>} : memref<2x4x128xi32, #tpu.memory_space<vmem>>, vector<16xi32>,
      %mul3A_965 = arith.constant 2 : i32
      %mul3A_966 = vector.broadcast %mul3A_965 : i32 to vector<16xi32>
      %mul3A_967 = arith.muli %get3A_964, %mul3A_966 : vector<16xi32>
      %swap3A_968 = arith.constant 1 : i32
      %swap3A_969 = arith.constant 1 : i32
      %swap3A_970 = arith.index_cast %swap3A_968 : i32 to index
      %swap3A_971 = arith.index_cast %swap3A_969 : i32 to index
      %swap3A_972 = arith.constant 48 : index
      %swap3A_973 = tpu.vector_load %arg6[%swap3A_970, %swap3A_971, %swap3A_972] {strides = array<i32>} : memref<2x4x128xi32, #tpu.memory_space<vmem>>, vector<16xi32>,
      tpu.vector_store %arg6[%swap3A_970, %swap3A_971, %swap3A_972], %mul3A_967 {strides = array<i32>} : memref<2x4x128xi32, #tpu.memory_space<vmem>>, vector<16xi32>,
      %get3A_974 = arith.constant 1 : i32
      %get3A_975 = arith.constant 1 : i32
      %get3A_976 = arith.index_cast %get3A_974 : i32 to index
      %get3A_977 = arith.index_cast %get3A_975 : i32 to index
      %get3A_978 = arith.constant 64 : index
      %get3A_979 = tpu.vector_load %arg5[%get3A_976, %get3A_977, %get3A_978] {strides = array<i32>} : memref<2x4x128xi32, #tpu.memory_space<vmem>>, vector<16xi32>,
      %mul3A_980 = arith.constant 2 : i32
      %mul3A_981 = vector.broadcast %mul3A_980 : i32 to vector<16xi32>
      %mul3A_982 = arith.muli %get3A_979, %mul3A_981 : vector<16xi32>
      %swap3A_983 = arith.constant 1 : i32
      %swap3A_984 = arith.constant 1 : i32
      %swap3A_985 = arith.index_cast %swap3A_983 : i32 to index
      %swap3A_986 = arith.index_cast %swap3A_984 : i32 to index
      %swap3A_987 = arith.constant 64 : index
      %swap3A_988 = tpu.vector_load %arg6[%swap3A_985, %swap3A_986, %swap3A_987] {strides = array<i32>} : memref<2x4x128xi32, #tpu.memory_space<vmem>>, vector<16xi32>,
      tpu.vector_store %arg6[%swap3A_985, %swap3A_986, %swap3A_987], %mul3A_982 {strides = array<i32>} : memref<2x4x128xi32, #tpu.memory_space<vmem>>, vector<16xi32>,
      %get3A_989 = arith.constant 1 : i32
      %get3A_990 = arith.constant 1 : i32
      %get3A_991 = arith.index_cast %get3A_989 : i32 to index
      %get3A_992 = arith.index_cast %get3A_990 : i32 to index
      %get3A_993 = arith.constant 80 : index
      %get3A_994 = tpu.vector_load %arg5[%get3A_991, %get3A_992, %get3A_993] {strides = array<i32>} : memref<2x4x128xi32, #tpu.memory_space<vmem>>, vector<16xi32>,
      %mul3A_995 = arith.constant 2 : i32
      %mul3A_996 = vector.broadcast %mul3A_995 : i32 to vector<16xi32>
      %mul3A_997 = arith.muli %get3A_994, %mul3A_996 : vector<16xi32>
      %swap3A_998 = arith.constant 1 : i32
      %swap3A_999 = arith.constant 1 : i32
      %swap3A_1000 = arith.index_cast %swap3A_998 : i32 to index
      %swap3A_1001 = arith.index_cast %swap3A_999 : i32 to index
      %swap3A_1002 = arith.constant 80 : index
      %swap3A_1003 = tpu.vector_load %arg6[%swap3A_1000, %swap3A_1001, %swap3A_1002] {strides = array<i32>} : memref<2x4x128xi32, #tpu.memory_space<vmem>>, vector<16xi32>,
      tpu.vector_store %arg6[%swap3A_1000, %swap3A_1001, %swap3A_1002], %mul3A_997 {strides = array<i32>} : memref<2x4x128xi32, #tpu.memory_space<vmem>>, vector<16xi32>,
      %get3A_1004 = arith.constant 1 : i32
      %get3A_1005 = arith.constant 1 : i32
      %get3A_1006 = arith.index_cast %get3A_1004 : i32 to index
      %get3A_1007 = arith.index_cast %get3A_1005 : i32 to index
      %get3A_1008 = arith.constant 96 : index
      %get3A_1009 = tpu.vector_load %arg5[%get3A_1006, %get3A_1007, %get3A_1008] {strides = array<i32>} : memref<2x4x128xi32, #tpu.memory_space<vmem>>, vector<16xi32>,
      %mul3A_1010 = arith.constant 2 : i32
      %mul3A_1011 = vector.broadcast %mul3A_1010 : i32 to vector<16xi32>
      %mul3A_1012 = arith.muli %get3A_1009, %mul3A_1011 : vector<16xi32>
      %swap3A_1013 = arith.constant 1 : i32
      %swap3A_1014 = arith.constant 1 : i32
      %swap3A_1015 = arith.index_cast %swap3A_1013 : i32 to index
      %swap3A_1016 = arith.index_cast %swap3A_1014 : i32 to index
      %swap3A_1017 = arith.constant 96 : index
      %swap3A_1018 = tpu.vector_load %arg6[%swap3A_1015, %swap3A_1016, %swap3A_1017] {strides = array<i32>} : memref<2x4x128xi32, #tpu.memory_space<vmem>>, vector<16xi32>,
      tpu.vector_store %arg6[%swap3A_1015, %swap3A_1016, %swap3A_1017], %mul3A_1012 {strides = array<i32>} : memref<2x4x128xi32, #tpu.memory_space<vmem>>, vector<16xi32>,
      %get3A_1019 = arith.constant 1 : i32
      %get3A_1020 = arith.constant 1 : i32
      %get3A_1021 = arith.index_cast %get3A_1019 : i32 to index
      %get3A_1022 = arith.index_cast %get3A_1020 : i32 to index
      %get3A_1023 = arith.constant 112 : index
      %get3A_1024 = tpu.vector_load %arg5[%get3A_1021, %get3A_1022, %get3A_1023] {strides = array<i32>} : memref<2x4x128xi32, #tpu.memory_space<vmem>>, vector<16xi32>,
      %mul3A_1025 = arith.constant 2 : i32
      %mul3A_1026 = vector.broadcast %mul3A_1025 : i32 to vector<16xi32>
      %mul3A_1027 = arith.muli %get3A_1024, %mul3A_1026 : vector<16xi32>
      %swap3A_1028 = arith.constant 1 : i32
      %swap3A_1029 = arith.constant 1 : i32
      %swap3A_1030 = arith.index_cast %swap3A_1028 : i32 to index
      %swap3A_1031 = arith.index_cast %swap3A_1029 : i32 to index
      %swap3A_1032 = arith.constant 112 : index
      %swap3A_1033 = tpu.vector_load %arg6[%swap3A_1030, %swap3A_1031, %swap3A_1032] {strides = array<i32>} : memref<2x4x128xi32, #tpu.memory_space<vmem>>, vector<16xi32>,
      tpu.vector_store %arg6[%swap3A_1030, %swap3A_1031, %swap3A_1032], %mul3A_1027 {strides = array<i32>} : memref<2x4x128xi32, #tpu.memory_space<vmem>>, vector<16xi32>,
      %get3A_1034 = arith.constant 1 : i32
      %get3A_1035 = arith.constant 2 : i32
      %get3A_1036 = arith.index_cast %get3A_1034 : i32 to index
      %get3A_1037 = arith.index_cast %get3A_1035 : i32 to index
      %get3A_1038 = arith.constant 0 : index
      %get3A_1039 = tpu.vector_load %arg5[%get3A_1036, %get3A_1037, %get3A_1038] {strides = array<i32>} : memref<2x4x128xi32, #tpu.memory_space<vmem>>, vector<16xi32>,
      %mul3A_1040 = arith.constant 2 : i32
      %mul3A_1041 = vector.broadcast %mul3A_1040 : i32 to vector<16xi32>
      %mul3A_1042 = arith.muli %get3A_1039, %mul3A_1041 : vector<16xi32>
      %swap3A_1043 = arith.constant 1 : i32
      %swap3A_1044 = arith.constant 2 : i32
      %swap3A_1045 = arith.index_cast %swap3A_1043 : i32 to index
      %swap3A_1046 = arith.index_cast %swap3A_1044 : i32 to index
      %swap3A_1047 = arith.constant 0 : index
      %swap3A_1048 = tpu.vector_load %arg6[%swap3A_1045, %swap3A_1046, %swap3A_1047] {strides = array<i32>} : memref<2x4x128xi32, #tpu.memory_space<vmem>>, vector<16xi32>,
      tpu.vector_store %arg6[%swap3A_1045, %swap3A_1046, %swap3A_1047], %mul3A_1042 {strides = array<i32>} : memref<2x4x128xi32, #tpu.memory_space<vmem>>, vector<16xi32>,
      %get3A_1049 = arith.constant 1 : i32
      %get3A_1050 = arith.constant 2 : i32
      %get3A_1051 = arith.index_cast %get3A_1049 : i32 to index
      %get3A_1052 = arith.index_cast %get3A_1050 : i32 to index
      %get3A_1053 = arith.constant 16 : index
      %get3A_1054 = tpu.vector_load %arg5[%get3A_1051, %get3A_1052, %get3A_1053] {strides = array<i32>} : memref<2x4x128xi32, #tpu.memory_space<vmem>>, vector<16xi32>,
      %mul3A_1055 = arith.constant 2 : i32
      %mul3A_1056 = vector.broadcast %mul3A_1055 : i32 to vector<16xi32>
      %mul3A_1057 = arith.muli %get3A_1054, %mul3A_1056 : vector<16xi32>
      %swap3A_1058 = arith.constant 1 : i32
      %swap3A_1059 = arith.constant 2 : i32
      %swap3A_1060 = arith.index_cast %swap3A_1058 : i32 to index
      %swap3A_1061 = arith.index_cast %swap3A_1059 : i32 to index
      %swap3A_1062 = arith.constant 16 : index
      %swap3A_1063 = tpu.vector_load %arg6[%swap3A_1060, %swap3A_1061, %swap3A_1062] {strides = array<i32>} : memref<2x4x128xi32, #tpu.memory_space<vmem>>, vector<16xi32>,
      tpu.vector_store %arg6[%swap3A_1060, %swap3A_1061, %swap3A_1062], %mul3A_1057 {strides = array<i32>} : memref<2x4x128xi32, #tpu.memory_space<vmem>>, vector<16xi32>,
      %get3A_1064 = arith.constant 1 : i32
      %get3A_1065 = arith.constant 2 : i32
      %get3A_1066 = arith.index_cast %get3A_1064 : i32 to index
      %get3A_1067 = arith.index_cast %get3A_1065 : i32 to index
      %get3A_1068 = arith.constant 32 : index
      %get3A_1069 = tpu.vector_load %arg5[%get3A_1066, %get3A_1067, %get3A_1068] {strides = array<i32>} : memref<2x4x128xi32, #tpu.memory_space<vmem>>, vector<16xi32>,
      %mul3A_1070 = arith.constant 2 : i32
      %mul3A_1071 = vector.broadcast %mul3A_1070 : i32 to vector<16xi32>
      %mul3A_1072 = arith.muli %get3A_1069, %mul3A_1071 : vector<16xi32>
      %swap3A_1073 = arith.constant 1 : i32
      %swap3A_1074 = arith.constant 2 : i32
      %swap3A_1075 = arith.index_cast %swap3A_1073 : i32 to index
      %swap3A_1076 = arith.index_cast %swap3A_1074 : i32 to index
      %swap3A_1077 = arith.constant 32 : index
      %swap3A_1078 = tpu.vector_load %arg6[%swap3A_1075, %swap3A_1076, %swap3A_1077] {strides = array<i32>} : memref<2x4x128xi32, #tpu.memory_space<vmem>>, vector<16xi32>,
      tpu.vector_store %arg6[%swap3A_1075, %swap3A_1076, %swap3A_1077], %mul3A_1072 {strides = array<i32>} : memref<2x4x128xi32, #tpu.memory_space<vmem>>, vector<16xi32>,
      %get3A_1079 = arith.constant 1 : i32
      %get3A_1080 = arith.constant 2 : i32
      %get3A_1081 = arith.index_cast %get3A_1079 : i32 to index
      %get3A_1082 = arith.index_cast %get3A_1080 : i32 to index
      %get3A_1083 = arith.constant 48 : index
      %get3A_1084 = tpu.vector_load %arg5[%get3A_1081, %get3A_1082, %get3A_1083] {strides = array<i32>} : memref<2x4x128xi32, #tpu.memory_space<vmem>>, vector<16xi32>,
      %mul3A_1085 = arith.constant 2 : i32
      %mul3A_1086 = vector.broadcast %mul3A_1085 : i32 to vector<16xi32>
      %mul3A_1087 = arith.muli %get3A_1084, %mul3A_1086 : vector<16xi32>
      %swap3A_1088 = arith.constant 1 : i32
      %swap3A_1089 = arith.constant 2 : i32
      %swap3A_1090 = arith.index_cast %swap3A_1088 : i32 to index
      %swap3A_1091 = arith.index_cast %swap3A_1089 : i32 to index
      %swap3A_1092 = arith.constant 48 : index
      %swap3A_1093 = tpu.vector_load %arg6[%swap3A_1090, %swap3A_1091, %swap3A_1092] {strides = array<i32>} : memref<2x4x128xi32, #tpu.memory_space<vmem>>, vector<16xi32>,
      tpu.vector_store %arg6[%swap3A_1090, %swap3A_1091, %swap3A_1092], %mul3A_1087 {strides = array<i32>} : memref<2x4x128xi32, #tpu.memory_space<vmem>>, vector<16xi32>,
      %get3A_1094 = arith.constant 1 : i32
      %get3A_1095 = arith.constant 2 : i32
      %get3A_1096 = arith.index_cast %get3A_1094 : i32 to index
      %get3A_1097 = arith.index_cast %get3A_1095 : i32 to index
      %get3A_1098 = arith.constant 64 : index
      %get3A_1099 = tpu.vector_load %arg5[%get3A_1096, %get3A_1097, %get3A_1098] {strides = array<i32>} : memref<2x4x128xi32, #tpu.memory_space<vmem>>, vector<16xi32>,
      %mul3A_1100 = arith.constant 2 : i32
      %mul3A_1101 = vector.broadcast %mul3A_1100 : i32 to vector<16xi32>
      %mul3A_1102 = arith.muli %get3A_1099, %mul3A_1101 : vector<16xi32>
      %swap3A_1103 = arith.constant 1 : i32
      %swap3A_1104 = arith.constant 2 : i32
      %swap3A_1105 = arith.index_cast %swap3A_1103 : i32 to index
      %swap3A_1106 = arith.index_cast %swap3A_1104 : i32 to index
      %swap3A_1107 = arith.constant 64 : index
      %swap3A_1108 = tpu.vector_load %arg6[%swap3A_1105, %swap3A_1106, %swap3A_1107] {strides = array<i32>} : memref<2x4x128xi32, #tpu.memory_space<vmem>>, vector<16xi32>,
      tpu.vector_store %arg6[%swap3A_1105, %swap3A_1106, %swap3A_1107], %mul3A_1102 {strides = array<i32>} : memref<2x4x128xi32, #tpu.memory_space<vmem>>, vector<16xi32>,
      %get3A_1109 = arith.constant 1 : i32
      %get3A_1110 = arith.constant 2 : i32
      %get3A_1111 = arith.index_cast %get3A_1109 : i32 to index
      %get3A_1112 = arith.index_cast %get3A_1110 : i32 to index
      %get3A_1113 = arith.constant 80 : index
      %get3A_1114 = tpu.vector_load %arg5[%get3A_1111, %get3A_1112, %get3A_1113] {strides = array<i32>} : memref<2x4x128xi32, #tpu.memory_space<vmem>>, vector<16xi32>,
      %mul3A_1115 = arith.constant 2 : i32
      %mul3A_1116 = vector.broadcast %mul3A_1115 : i32 to vector<16xi32>
      %mul3A_1117 = arith.muli %get3A_1114, %mul3A_1116 : vector<16xi32>
      %swap3A_1118 = arith.constant 1 : i32
      %swap3A_1119 = arith.constant 2 : i32
      %swap3A_1120 = arith.index_cast %swap3A_1118 : i32 to index
      %swap3A_1121 = arith.index_cast %swap3A_1119 : i32 to index
      %swap3A_1122 = arith.constant 80 : index
      %swap3A_1123 = tpu.vector_load %arg6[%swap3A_1120, %swap3A_1121, %swap3A_1122] {strides = array<i32>} : memref<2x4x128xi32, #tpu.memory_space<vmem>>, vector<16xi32>,
      tpu.vector_store %arg6[%swap3A_1120, %swap3A_1121, %swap3A_1122], %mul3A_1117 {strides = array<i32>} : memref<2x4x128xi32, #tpu.memory_space<vmem>>, vector<16xi32>,
      %get3A_1124 = arith.constant 1 : i32
      %get3A_1125 = arith.constant 2 : i32
      %get3A_1126 = arith.index_cast %get3A_1124 : i32 to index
      %get3A_1127 = arith.index_cast %get3A_1125 : i32 to index
      %get3A_1128 = arith.constant 96 : index
      %get3A_1129 = tpu.vector_load %arg5[%get3A_1126, %get3A_1127, %get3A_1128] {strides = array<i32>} : memref<2x4x128xi32, #tpu.memory_space<vmem>>, vector<16xi32>,
      %mul3A_1130 = arith.constant 2 : i32
      %mul3A_1131 = vector.broadcast %mul3A_1130 : i32 to vector<16xi32>
      %mul3A_1132 = arith.muli %get3A_1129, %mul3A_1131 : vector<16xi32>
      %swap3A_1133 = arith.constant 1 : i32
      %swap3A_1134 = arith.constant 2 : i32
      %swap3A_1135 = arith.index_cast %swap3A_1133 : i32 to index
      %swap3A_1136 = arith.index_cast %swap3A_1134 : i32 to index
      %swap3A_1137 = arith.constant 96 : index
      %swap3A_1138 = tpu.vector_load %arg6[%swap3A_1135, %swap3A_1136, %swap3A_1137] {strides = array<i32>} : memref<2x4x128xi32, #tpu.memory_space<vmem>>, vector<16xi32>,
      tpu.vector_store %arg6[%swap3A_1135, %swap3A_1136, %swap3A_1137], %mul3A_1132 {strides = array<i32>} : memref<2x4x128xi32, #tpu.memory_space<vmem>>, vector<16xi32>,
      %get3A_1139 = arith.constant 1 : i32
      %get3A_1140 = arith.constant 2 : i32
      %get3A_1141 = arith.index_cast %get3A_1139 : i32 to index
      %get3A_1142 = arith.index_cast %get3A_1140 : i32 to index
      %get3A_1143 = arith.constant 112 : index
      %get3A_1144 = tpu.vector_load %arg5[%get3A_1141, %get3A_1142, %get3A_1143] {strides = array<i32>} : memref<2x4x128xi32, #tpu.memory_space<vmem>>, vector<16xi32>,
      %mul3A_1145 = arith.constant 2 : i32
      %mul3A_1146 = vector.broadcast %mul3A_1145 : i32 to vector<16xi32>
      %mul3A_1147 = arith.muli %get3A_1144, %mul3A_1146 : vector<16xi32>
      %swap3A_1148 = arith.constant 1 : i32
      %swap3A_1149 = arith.constant 2 : i32
      %swap3A_1150 = arith.index_cast %swap3A_1148 : i32 to index
      %swap3A_1151 = arith.index_cast %swap3A_1149 : i32 to index
      %swap3A_1152 = arith.constant 112 : index
      %swap3A_1153 = tpu.vector_load %arg6[%swap3A_1150, %swap3A_1151, %swap3A_1152] {strides = array<i32>} : memref<2x4x128xi32, #tpu.memory_space<vmem>>, vector<16xi32>,
      tpu.vector_store %arg6[%swap3A_1150, %swap3A_1151, %swap3A_1152], %mul3A_1147 {strides = array<i32>} : memref<2x4x128xi32, #tpu.memory_space<vmem>>, vector<16xi32>,
      %get3A_1154 = arith.constant 1 : i32
      %get3A_1155 = arith.constant 3 : i32
      %get3A_1156 = arith.index_cast %get3A_1154 : i32 to index
      %get3A_1157 = arith.index_cast %get3A_1155 : i32 to index
      %get3A_1158 = arith.constant 0 : index
      %get3A_1159 = tpu.vector_load %arg5[%get3A_1156, %get3A_1157, %get3A_1158] {strides = array<i32>} : memref<2x4x128xi32, #tpu.memory_space<vmem>>, vector<16xi32>,
      %mul3A_1160 = arith.constant 2 : i32
      %mul3A_1161 = vector.broadcast %mul3A_1160 : i32 to vector<16xi32>
      %mul3A_1162 = arith.muli %get3A_1159, %mul3A_1161 : vector<16xi32>
      %swap3A_1163 = arith.constant 1 : i32
      %swap3A_1164 = arith.constant 3 : i32
      %swap3A_1165 = arith.index_cast %swap3A_1163 : i32 to index
      %swap3A_1166 = arith.index_cast %swap3A_1164 : i32 to index
      %swap3A_1167 = arith.constant 0 : index
      %swap3A_1168 = tpu.vector_load %arg6[%swap3A_1165, %swap3A_1166, %swap3A_1167] {strides = array<i32>} : memref<2x4x128xi32, #tpu.memory_space<vmem>>, vector<16xi32>,
      tpu.vector_store %arg6[%swap3A_1165, %swap3A_1166, %swap3A_1167], %mul3A_1162 {strides = array<i32>} : memref<2x4x128xi32, #tpu.memory_space<vmem>>, vector<16xi32>,
      %get3A_1169 = arith.constant 1 : i32
      %get3A_1170 = arith.constant 3 : i32
      %get3A_1171 = arith.index_cast %get3A_1169 : i32 to index
      %get3A_1172 = arith.index_cast %get3A_1170 : i32 to index
      %get3A_1173 = arith.constant 16 : index
      %get3A_1174 = tpu.vector_load %arg5[%get3A_1171, %get3A_1172, %get3A_1173] {strides = array<i32>} : memref<2x4x128xi32, #tpu.memory_space<vmem>>, vector<16xi32>,
      %mul3A_1175 = arith.constant 2 : i32
      %mul3A_1176 = vector.broadcast %mul3A_1175 : i32 to vector<16xi32>
      %mul3A_1177 = arith.muli %get3A_1174, %mul3A_1176 : vector<16xi32>
      %swap3A_1178 = arith.constant 1 : i32
      %swap3A_1179 = arith.constant 3 : i32
      %swap3A_1180 = arith.index_cast %swap3A_1178 : i32 to index
      %swap3A_1181 = arith.index_cast %swap3A_1179 : i32 to index
      %swap3A_1182 = arith.constant 16 : index
      %swap3A_1183 = tpu.vector_load %arg6[%swap3A_1180, %swap3A_1181, %swap3A_1182] {strides = array<i32>} : memref<2x4x128xi32, #tpu.memory_space<vmem>>, vector<16xi32>,
      tpu.vector_store %arg6[%swap3A_1180, %swap3A_1181, %swap3A_1182], %mul3A_1177 {strides = array<i32>} : memref<2x4x128xi32, #tpu.memory_space<vmem>>, vector<16xi32>,
      %get3A_1184 = arith.constant 1 : i32
      %get3A_1185 = arith.constant 3 : i32
      %get3A_1186 = arith.index_cast %get3A_1184 : i32 to index
      %get3A_1187 = arith.index_cast %get3A_1185 : i32 to index
      %get3A_1188 = arith.constant 32 : index
      %get3A_1189 = tpu.vector_load %arg5[%get3A_1186, %get3A_1187, %get3A_1188] {strides = array<i32>} : memref<2x4x128xi32, #tpu.memory_space<vmem>>, vector<16xi32>,
      %mul3A_1190 = arith.constant 2 : i32
      %mul3A_1191 = vector.broadcast %mul3A_1190 : i32 to vector<16xi32>
      %mul3A_1192 = arith.muli %get3A_1189, %mul3A_1191 : vector<16xi32>
      %swap3A_1193 = arith.constant 1 : i32
      %swap3A_1194 = arith.constant 3 : i32
      %swap3A_1195 = arith.index_cast %swap3A_1193 : i32 to index
      %swap3A_1196 = arith.index_cast %swap3A_1194 : i32 to index
      %swap3A_1197 = arith.constant 32 : index
      %swap3A_1198 = tpu.vector_load %arg6[%swap3A_1195, %swap3A_1196, %swap3A_1197] {strides = array<i32>} : memref<2x4x128xi32, #tpu.memory_space<vmem>>, vector<16xi32>,
      tpu.vector_store %arg6[%swap3A_1195, %swap3A_1196, %swap3A_1197], %mul3A_1192 {strides = array<i32>} : memref<2x4x128xi32, #tpu.memory_space<vmem>>, vector<16xi32>,
      %get3A_1199 = arith.constant 1 : i32
      %get3A_1200 = arith.constant 3 : i32
      %get3A_1201 = arith.index_cast %get3A_1199 : i32 to index
      %get3A_1202 = arith.index_cast %get3A_1200 : i32 to index
      %get3A_1203 = arith.constant 48 : index
      %get3A_1204 = tpu.vector_load %arg5[%get3A_1201, %get3A_1202, %get3A_1203] {strides = array<i32>} : memref<2x4x128xi32, #tpu.memory_space<vmem>>, vector<16xi32>,
      %mul3A_1205 = arith.constant 2 : i32
      %mul3A_1206 = vector.broadcast %mul3A_1205 : i32 to vector<16xi32>
      %mul3A_1207 = arith.muli %get3A_1204, %mul3A_1206 : vector<16xi32>
      %swap3A_1208 = arith.constant 1 : i32
      %swap3A_1209 = arith.constant 3 : i32
      %swap3A_1210 = arith.index_cast %swap3A_1208 : i32 to index
      %swap3A_1211 = arith.index_cast %swap3A_1209 : i32 to index
      %swap3A_1212 = arith.constant 48 : index
      %swap3A_1213 = tpu.vector_load %arg6[%swap3A_1210, %swap3A_1211, %swap3A_1212] {strides = array<i32>} : memref<2x4x128xi32, #tpu.memory_space<vmem>>, vector<16xi32>,
      tpu.vector_store %arg6[%swap3A_1210, %swap3A_1211, %swap3A_1212], %mul3A_1207 {strides = array<i32>} : memref<2x4x128xi32, #tpu.memory_space<vmem>>, vector<16xi32>,
      %get3A_1214 = arith.constant 1 : i32
      %get3A_1215 = arith.constant 3 : i32
      %get3A_1216 = arith.index_cast %get3A_1214 : i32 to index
      %get3A_1217 = arith.index_cast %get3A_1215 : i32 to index
      %get3A_1218 = arith.constant 64 : index
      %get3A_1219 = tpu.vector_load %arg5[%get3A_1216, %get3A_1217, %get3A_1218] {strides = array<i32>} : memref<2x4x128xi32, #tpu.memory_space<vmem>>, vector<16xi32>,
      %mul3A_1220 = arith.constant 2 : i32
      %mul3A_1221 = vector.broadcast %mul3A_1220 : i32 to vector<16xi32>
      %mul3A_1222 = arith.muli %get3A_1219, %mul3A_1221 : vector<16xi32>
      %swap3A_1223 = arith.constant 1 : i32
      %swap3A_1224 = arith.constant 3 : i32
      %swap3A_1225 = arith.index_cast %swap3A_1223 : i32 to index
      %swap3A_1226 = arith.index_cast %swap3A_1224 : i32 to index
      %swap3A_1227 = arith.constant 64 : index
      %swap3A_1228 = tpu.vector_load %arg6[%swap3A_1225, %swap3A_1226, %swap3A_1227] {strides = array<i32>} : memref<2x4x128xi32, #tpu.memory_space<vmem>>, vector<16xi32>,
      tpu.vector_store %arg6[%swap3A_1225, %swap3A_1226, %swap3A_1227], %mul3A_1222 {strides = array<i32>} : memref<2x4x128xi32, #tpu.memory_space<vmem>>, vector<16xi32>,
      %get3A_1229 = arith.constant 1 : i32
      %get3A_1230 = arith.constant 3 : i32
      %get3A_1231 = arith.index_cast %get3A_1229 : i32 to index
      %get3A_1232 = arith.index_cast %get3A_1230 : i32 to index
      %get3A_1233 = arith.constant 80 : index
      %get3A_1234 = tpu.vector_load %arg5[%get3A_1231, %get3A_1232, %get3A_1233] {strides = array<i32>} : memref<2x4x128xi32, #tpu.memory_space<vmem>>, vector<16xi32>,
      %mul3A_1235 = arith.constant 2 : i32
      %mul3A_1236 = vector.broadcast %mul3A_1235 : i32 to vector<16xi32>
      %mul3A_1237 = arith.muli %get3A_1234, %mul3A_1236 : vector<16xi32>
      %swap3A_1238 = arith.constant 1 : i32
      %swap3A_1239 = arith.constant 3 : i32
      %swap3A_1240 = arith.index_cast %swap3A_1238 : i32 to index
      %swap3A_1241 = arith.index_cast %swap3A_1239 : i32 to index
      %swap3A_1242 = arith.constant 80 : index
      %swap3A_1243 = tpu.vector_load %arg6[%swap3A_1240, %swap3A_1241, %swap3A_1242] {strides = array<i32>} : memref<2x4x128xi32, #tpu.memory_space<vmem>>, vector<16xi32>,
      tpu.vector_store %arg6[%swap3A_1240, %swap3A_1241, %swap3A_1242], %mul3A_1237 {strides = array<i32>} : memref<2x4x128xi32, #tpu.memory_space<vmem>>, vector<16xi32>,
      %get3A_1244 = arith.constant 1 : i32
      %get3A_1245 = arith.constant 3 : i32
      %get3A_1246 = arith.index_cast %get3A_1244 : i32 to index
      %get3A_1247 = arith.index_cast %get3A_1245 : i32 to index
      %get3A_1248 = arith.constant 96 : index
      %get3A_1249 = tpu.vector_load %arg5[%get3A_1246, %get3A_1247, %get3A_1248] {strides = array<i32>} : memref<2x4x128xi32, #tpu.memory_space<vmem>>, vector<16xi32>,
      %mul3A_1250 = arith.constant 2 : i32
      %mul3A_1251 = vector.broadcast %mul3A_1250 : i32 to vector<16xi32>
      %mul3A_1252 = arith.muli %get3A_1249, %mul3A_1251 : vector<16xi32>
      %swap3A_1253 = arith.constant 1 : i32
      %swap3A_1254 = arith.constant 3 : i32
      %swap3A_1255 = arith.index_cast %swap3A_1253 : i32 to index
      %swap3A_1256 = arith.index_cast %swap3A_1254 : i32 to index
      %swap3A_1257 = arith.constant 96 : index
      %swap3A_1258 = tpu.vector_load %arg6[%swap3A_1255, %swap3A_1256, %swap3A_1257] {strides = array<i32>} : memref<2x4x128xi32, #tpu.memory_space<vmem>>, vector<16xi32>,
      tpu.vector_store %arg6[%swap3A_1255, %swap3A_1256, %swap3A_1257], %mul3A_1252 {strides = array<i32>} : memref<2x4x128xi32, #tpu.memory_space<vmem>>, vector<16xi32>,
      %get3A_1259 = arith.constant 1 : i32
      %get3A_1260 = arith.constant 3 : i32
      %get3A_1261 = arith.index_cast %get3A_1259 : i32 to index
      %get3A_1262 = arith.index_cast %get3A_1260 : i32 to index
      %get3A_1263 = arith.constant 112 : index
      %get3A_1264 = tpu.vector_load %arg5[%get3A_1261, %get3A_1262, %get3A_1263] {strides = array<i32>} : memref<2x4x128xi32, #tpu.memory_space<vmem>>, vector<16xi32>,
      %mul3A_1265 = arith.constant 2 : i32
      %mul3A_1266 = vector.broadcast %mul3A_1265 : i32 to vector<16xi32>
      %mul3A_1267 = arith.muli %get3A_1264, %mul3A_1266 : vector<16xi32>
      %swap3A_1268 = arith.constant 1 : i32
      %swap3A_1269 = arith.constant 3 : i32
      %swap3A_1270 = arith.index_cast %swap3A_1268 : i32 to index
      %swap3A_1271 = arith.index_cast %swap3A_1269 : i32 to index
      %swap3A_1272 = arith.constant 112 : index
      %swap3A_1273 = tpu.vector_load %arg6[%swap3A_1270, %swap3A_1271, %swap3A_1272] {strides = array<i32>} : memref<2x4x128xi32, #tpu.memory_space<vmem>>, vector<16xi32>,
      tpu.vector_store %arg6[%swap3A_1270, %swap3A_1271, %swap3A_1272], %mul3A_1267 {strides = array<i32>} : memref<2x4x128xi32, #tpu.memory_space<vmem>>, vector<16xi32>,
      %ge3A_1274 = arith.constant 2 : i32
      %ge3A_1275 = arith.cmpi sge, %add3A_776, %ge3A_1274 : i32
      %convert_element_type3A_1276 = arith.extui %ge3A_1275 : i1 to i32
      %cond3A_1277 = arith.constant 0 : i32
      %cond3A_1278 = arith.cmpi ne, %convert_element_type3A_1276, %cond3A_1277 : i32
      scf.if %cond3A_1278 {
        %mul3A_1371 = arith.constant 512 : i32
        %mul3A_1372 = arith.muli %add3A_776, %mul3A_1371 : i32
        %add3A_1373 = arith.addi %mul3A_2, %mul3A_1372 : i32
        %multiple_of3A_1374 = tpu.assume_multiple %add3A_1373, 512 : i32
        %dma_wait3A_1375 = arith.constant 1 : i32
        %dma_wait3A_1376 = arith.constant 0 : i32
        %dma_wait3A_1377 = arith.constant 0 : i32
        %dma_wait3A_1378 = tpu.memref_slice %arg7[%dma_wait3A_1375, %dma_wait3A_1376, %dma_wait3A_1377] : memref<2x512x64xf32, #tpu.memory_space<vmem>> -> memref<1x512x64xf32, #tpu.memory_space<vmem>>
        %dma_wait3A_1379 = tpu.memref_squeeze %dma_wait3A_1378 : memref<1x512x64xf32, #tpu.memory_space<vmem>> -> memref<512x64xf32, #tpu.memory_space<vmem>>
        %dma_wait3A_1380 = arith.constant 0 : i32
        %dma_wait3A_1381 = tpu.memref_slice %arg4[%multiple_of3A_1374, %dma_wait3A_1380] : memref<819200x128xf32, #tpu.memory_space<hbm>> -> memref<512x64xf32, #tpu.memory_space<hbm>>
        %dma_wait3A_1382 = arith.constant 0 : i32
        %dma_wait3A_1383 = tpu.memref_slice %arg4[%multiple_of3A_1374, %dma_wait3A_1382] : memref<819200x128xf32, #tpu.memory_space<hbm>> -> memref<512x64xf32, #tpu.memory_space<hbm>>
        %dma_wait3A_1384 = arith.constant 0 : i32
        %dma_wait3A_1385 = arith.constant 0 : i32
        %dma_wait3A_1386 = tpu.memref_slice %arg7[%dma_wait3A_1375, %dma_wait3A_1384, %dma_wait3A_1385] : memref<2x512x64xf32, #tpu.memory_space<vmem>> -> memref<1x512x64xf32, #tpu.memory_space<vmem>>
        %dma_wait3A_1387 = tpu.memref_squeeze %dma_wait3A_1386 : memref<1x512x64xf32, #tpu.memory_space<vmem>> -> memref<512x64xf32, #tpu.memory_space<vmem>>
        tpu.wait_dma2 semaphore(%arg13 : memref<!tpu.dma_semaphore, #tpu.memory_space<semaphore_mem>>) src(%dma_wait3A_1387 : memref<512x64xf32, #tpu.memory_space<vmem>>) dst(%dma_wait3A_1383 : memref<512x64xf32, #tpu.memory_space<hbm>>)
      } else {
      }
      %dma_start3A_1279 = arith.constant 1 : i32
      %dma_start3A_1280 = arith.constant 0 : i32
      %dma_start3A_1281 = arith.constant 1 : i32
      %dma_start3A_1282 = arith.constant 0 : i32
      %dma_start3A_1283 = arith.constant 0 : i32
      %dma_start3A_1284 = tpu.memref_slice %arg7[%dma_start3A_1281, %dma_start3A_1282, %dma_start3A_1283] : memref<2x512x64xf32, #tpu.memory_space<vmem>> -> memref<1x512x64xf32, #tpu.memory_space<vmem>>
      %dma_start3A_1285 = tpu.memref_squeeze %dma_start3A_1284 : memref<1x512x64xf32, #tpu.memory_space<vmem>> -> memref<512x64xf32, #tpu.memory_space<vmem>>
      %dma_start3A_1286 = arith.constant 0 : i32
      %dma_start3A_1287 = arith.constant 0 : i32
      %dma_start3A_1288 = tpu.memref_slice %dma_start3A_1285[%dma_start3A_1286, %dma_start3A_1287] : memref<512x64xf32, #tpu.memory_space<vmem>> -> memref<128x64xf32, #tpu.memory_space<vmem>>
      %dma_start3A_1289 = arith.constant 0 : i32
      %dma_start3A_1290 = arith.constant 0 : i32
      %dma_start3A_1291 = tpu.memref_slice %arg6[%dma_start3A_1279, %dma_start3A_1289, %dma_start3A_1290] : memref<2x4x128xi32, #tpu.memory_space<vmem>> -> memref<1x4x128xi32, #tpu.memory_space<vmem>>
      %dma_start3A_1292 = tpu.memref_squeeze %dma_start3A_1291 : memref<1x4x128xi32, #tpu.memory_space<vmem>> -> memref<4x128xi32, #tpu.memory_space<vmem>>
      %dma_start3A_1293 = arith.constant 0 : i32
      %dma_start3A_1294 = tpu.memref_slice %dma_start3A_1292[%dma_start3A_1280, %dma_start3A_1293] : memref<4x128xi32, #tpu.memory_space<vmem>> -> memref<1x128xi32, #tpu.memory_space<vmem>>
      %dma_start3A_1295 = tpu.memref_squeeze %dma_start3A_1294 : memref<1x128xi32, #tpu.memory_space<vmem>> -> memref<128xi32, #tpu.memory_space<vmem>>
      %dma_start3A_1296 = arith.constant 0 : i32
      %dma_start3A_1297 = arith.constant 0 : i32
      %dma_start3A_1298 = tpu.memref_slice %arg3[%dma_start3A_1296, %dma_start3A_1297] : memref<2000000x64xf32, #tpu.memory_space<hbm>> -> memref<2000000x64xf32, #tpu.memory_space<hbm>>
      tpu.enqueue_indirect_dma source(%dma_start3A_1298 : memref<2000000x64xf32, #tpu.memory_space<hbm>>) target(%dma_start3A_1288 : memref<128x64xf32, #tpu.memory_space<vmem>>) offsets(%dma_start3A_1295 : memref<128xi32, #tpu.memory_space<vmem>>) semaphore(%arg11 : memref<!tpu.dma_semaphore, #tpu.memory_space<semaphore_mem>>)
      %dma_start3A_1299 = arith.constant 1 : i32
      %dma_start3A_1300 = arith.constant 1 : i32
      %dma_start3A_1301 = arith.constant 1 : i32
      %dma_start3A_1302 = arith.constant 0 : i32
      %dma_start3A_1303 = arith.constant 0 : i32
      %dma_start3A_1304 = tpu.memref_slice %arg7[%dma_start3A_1301, %dma_start3A_1302, %dma_start3A_1303] : memref<2x512x64xf32, #tpu.memory_space<vmem>> -> memref<1x512x64xf32, #tpu.memory_space<vmem>>
      %dma_start3A_1305 = tpu.memref_squeeze %dma_start3A_1304 : memref<1x512x64xf32, #tpu.memory_space<vmem>> -> memref<512x64xf32, #tpu.memory_space<vmem>>
      %dma_start3A_1306 = arith.constant 128 : i32
      %dma_start3A_1307 = arith.constant 0 : i32
      %dma_start3A_1308 = tpu.memref_slice %dma_start3A_1305[%dma_start3A_1306, %dma_start3A_1307] : memref<512x64xf32, #tpu.memory_space<vmem>> -> memref<128x64xf32, #tpu.memory_space<vmem>>
      %dma_start3A_1309 = arith.constant 0 : i32
      %dma_start3A_1310 = arith.constant 0 : i32
      %dma_start3A_1311 = tpu.memref_slice %arg6[%dma_start3A_1299, %dma_start3A_1309, %dma_start3A_1310] : memref<2x4x128xi32, #tpu.memory_space<vmem>> -> memref<1x4x128xi32, #tpu.memory_space<vmem>>
      %dma_start3A_1312 = tpu.memref_squeeze %dma_start3A_1311 : memref<1x4x128xi32, #tpu.memory_space<vmem>> -> memref<4x128xi32, #tpu.memory_space<vmem>>
      %dma_start3A_1313 = arith.constant 0 : i32
      %dma_start3A_1314 = tpu.memref_slice %dma_start3A_1312[%dma_start3A_1300, %dma_start3A_1313] : memref<4x128xi32, #tpu.memory_space<vmem>> -> memref<1x128xi32, #tpu.memory_space<vmem>>
      %dma_start3A_1315 = tpu.memref_squeeze %dma_start3A_1314 : memref<1x128xi32, #tpu.memory_space<vmem>> -> memref<128xi32, #tpu.memory_space<vmem>>
      %dma_start3A_1316 = arith.constant 0 : i32
      %dma_start3A_1317 = arith.constant 0 : i32
      %dma_start3A_1318 = tpu.memref_slice %arg3[%dma_start3A_1316, %dma_start3A_1317] : memref<2000000x64xf32, #tpu.memory_space<hbm>> -> memref<2000000x64xf32, #tpu.memory_space<hbm>>
      tpu.enqueue_indirect_dma source(%dma_start3A_1318 : memref<2000000x64xf32, #tpu.memory_space<hbm>>) target(%dma_start3A_1308 : memref<128x64xf32, #tpu.memory_space<vmem>>) offsets(%dma_start3A_1315 : memref<128xi32, #tpu.memory_space<vmem>>) semaphore(%arg11 : memref<!tpu.dma_semaphore, #tpu.memory_space<semaphore_mem>>)
      %dma_start3A_1319 = arith.constant 1 : i32
      %dma_start3A_1320 = arith.constant 2 : i32
      %dma_start3A_1321 = arith.constant 1 : i32
      %dma_start3A_1322 = arith.constant 0 : i32
      %dma_start3A_1323 = arith.constant 0 : i32
      %dma_start3A_1324 = tpu.memref_slice %arg7[%dma_start3A_1321, %dma_start3A_1322, %dma_start3A_1323] : memref<2x512x64xf32, #tpu.memory_space<vmem>> -> memref<1x512x64xf32, #tpu.memory_space<vmem>>
      %dma_start3A_1325 = tpu.memref_squeeze %dma_start3A_1324 : memref<1x512x64xf32, #tpu.memory_space<vmem>> -> memref<512x64xf32, #tpu.memory_space<vmem>>
      %dma_start3A_1326 = arith.constant 256 : i32
      %dma_start3A_1327 = arith.constant 0 : i32
      %dma_start3A_1328 = tpu.memref_slice %dma_start3A_1325[%dma_start3A_1326, %dma_start3A_1327] : memref<512x64xf32, #tpu.memory_space<vmem>> -> memref<128x64xf32, #tpu.memory_space<vmem>>
      %dma_start3A_1329 = arith.constant 0 : i32
      %dma_start3A_1330 = arith.constant 0 : i32
      %dma_start3A_1331 = tpu.memref_slice %arg6[%dma_start3A_1319, %dma_start3A_1329, %dma_start3A_1330] : memref<2x4x128xi32, #tpu.memory_space<vmem>> -> memref<1x4x128xi32, #tpu.memory_space<vmem>>
      %dma_start3A_1332 = tpu.memref_squeeze %dma_start3A_1331 : memref<1x4x128xi32, #tpu.memory_space<vmem>> -> memref<4x128xi32, #tpu.memory_space<vmem>>
      %dma_start3A_1333 = arith.constant 0 : i32
      %dma_start3A_1334 = tpu.memref_slice %dma_start3A_1332[%dma_start3A_1320, %dma_start3A_1333] : memref<4x128xi32, #tpu.memory_space<vmem>> -> memref<1x128xi32, #tpu.memory_space<vmem>>
      %dma_start3A_1335 = tpu.memref_squeeze %dma_start3A_1334 : memref<1x128xi32, #tpu.memory_space<vmem>> -> memref<128xi32, #tpu.memory_space<vmem>>
      %dma_start3A_1336 = arith.constant 0 : i32
      %dma_start3A_1337 = arith.constant 0 : i32
      %dma_start3A_1338 = tpu.memref_slice %arg3[%dma_start3A_1336, %dma_start3A_1337] : memref<2000000x64xf32, #tpu.memory_space<hbm>> -> memref<2000000x64xf32, #tpu.memory_space<hbm>>
      tpu.enqueue_indirect_dma source(%dma_start3A_1338 : memref<2000000x64xf32, #tpu.memory_space<hbm>>) target(%dma_start3A_1328 : memref<128x64xf32, #tpu.memory_space<vmem>>) offsets(%dma_start3A_1335 : memref<128xi32, #tpu.memory_space<vmem>>) semaphore(%arg11 : memref<!tpu.dma_semaphore, #tpu.memory_space<semaphore_mem>>)
      %dma_start3A_1339 = arith.constant 1 : i32
      %dma_start3A_1340 = arith.constant 3 : i32
      %dma_start3A_1341 = arith.constant 1 : i32
      %dma_start3A_1342 = arith.constant 0 : i32
      %dma_start3A_1343 = arith.constant 0 : i32
      %dma_start3A_1344 = tpu.memref_slice %arg7[%dma_start3A_1341, %dma_start3A_1342, %dma_start3A_1343] : memref<2x512x64xf32, #tpu.memory_space<vmem>> -> memref<1x512x64xf32, #tpu.memory_space<vmem>>
      %dma_start3A_1345 = tpu.memref_squeeze %dma_start3A_1344 : memref<1x512x64xf32, #tpu.memory_space<vmem>> -> memref<512x64xf32, #tpu.memory_space<vmem>>
      %dma_start3A_1346 = arith.constant 384 : i32
      %dma_start3A_1347 = arith.constant 0 : i32
      %dma_start3A_1348 = tpu.memref_slice %dma_start3A_1345[%dma_start3A_1346, %dma_start3A_1347] : memref<512x64xf32, #tpu.memory_space<vmem>> -> memref<128x64xf32, #tpu.memory_space<vmem>>
      %dma_start3A_1349 = arith.constant 0 : i32
      %dma_start3A_1350 = arith.constant 0 : i32
      %dma_start3A_1351 = tpu.memref_slice %arg6[%dma_start3A_1339, %dma_start3A_1349, %dma_start3A_1350] : memref<2x4x128xi32, #tpu.memory_space<vmem>> -> memref<1x4x128xi32, #tpu.memory_space<vmem>>
      %dma_start3A_1352 = tpu.memref_squeeze %dma_start3A_1351 : memref<1x4x128xi32, #tpu.memory_space<vmem>> -> memref<4x128xi32, #tpu.memory_space<vmem>>
      %dma_start3A_1353 = arith.constant 0 : i32
      %dma_start3A_1354 = tpu.memref_slice %dma_start3A_1352[%dma_start3A_1340, %dma_start3A_1353] : memref<4x128xi32, #tpu.memory_space<vmem>> -> memref<1x128xi32, #tpu.memory_space<vmem>>
      %dma_start3A_1355 = tpu.memref_squeeze %dma_start3A_1354 : memref<1x128xi32, #tpu.memory_space<vmem>> -> memref<128xi32, #tpu.memory_space<vmem>>
      %dma_start3A_1356 = arith.constant 0 : i32
      %dma_start3A_1357 = arith.constant 0 : i32
      %dma_start3A_1358 = tpu.memref_slice %arg3[%dma_start3A_1356, %dma_start3A_1357] : memref<2000000x64xf32, #tpu.memory_space<hbm>> -> memref<2000000x64xf32, #tpu.memory_space<hbm>>
      tpu.enqueue_indirect_dma source(%dma_start3A_1358 : memref<2000000x64xf32, #tpu.memory_space<hbm>>) target(%dma_start3A_1348 : memref<128x64xf32, #tpu.memory_space<vmem>>) offsets(%dma_start3A_1355 : memref<128xi32, #tpu.memory_space<vmem>>) semaphore(%arg11 : memref<!tpu.dma_semaphore, #tpu.memory_space<semaphore_mem>>)
      %add3A_1359 = arith.constant 2 : i32
      %add3A_1360 = arith.addi %add3A_776, %add3A_1359 : i32
      %lt3A_1361 = arith.constant 50 : i32
      %lt3A_1362 = arith.cmpi slt, %add3A_1360, %lt3A_1361 : i32
      %convert_element_type3A_1363 = arith.extui %lt3A_1362 : i1 to i32
      %cond3A_1364 = arith.constant 0 : i32
      %cond3A_1365 = arith.cmpi ne, %convert_element_type3A_1363, %cond3A_1364 : i32
      scf.if %cond3A_1365 {
        %add3A_1371 = arith.constant 2 : i32
        %add3A_1372 = arith.addi %add3A_776, %add3A_1371 : i32
        %mul3A_1373 = arith.constant 4 : i32
        %mul3A_1374 = arith.muli %add3A_1372, %mul3A_1373 : i32
        %add3A_1375 = arith.addi %select_n3A, %mul3A_1374 : i32
        %multiple_of3A_1376 = tpu.assume_multiple %add3A_1375, 4 : i32
        %dma_start3A_1377 = arith.constant 1 : i32
        %dma_start3A_1378 = arith.constant 0 : i32
        %dma_start3A_1379 = arith.constant 0 : i32
        %dma_start3A_1380 = tpu.memref_slice %arg5[%dma_start3A_1377, %dma_start3A_1378, %dma_start3A_1379] : memref<2x4x128xi32, #tpu.memory_space<vmem>> -> memref<1x4x128xi32, #tpu.memory_space<vmem>>
        %dma_start3A_1381 = tpu.memref_squeeze %dma_start3A_1380 : memref<1x4x128xi32, #tpu.memory_space<vmem>> -> memref<4x128xi32, #tpu.memory_space<vmem>>
        %dma_start3A_1382 = arith.constant 0 : i32
        %dma_start3A_1383 = tpu.memref_slice %arg2[%multiple_of3A_1376, %dma_start3A_1382] : memref<6400x128xi32, #tpu.memory_space<hbm>> -> memref<4x128xi32, #tpu.memory_space<hbm>>
        %dma_start3A_1384 = arith.constant 0 : i32
        %dma_start3A_1385 = arith.constant 0 : i32
        %dma_start3A_1386 = tpu.memref_slice %arg5[%dma_start3A_1377, %dma_start3A_1384, %dma_start3A_1385] : memref<2x4x128xi32, #tpu.memory_space<vmem>> -> memref<1x4x128xi32, #tpu.memory_space<vmem>>
        %dma_start3A_1387 = tpu.memref_squeeze %dma_start3A_1386 : memref<1x4x128xi32, #tpu.memory_space<vmem>> -> memref<4x128xi32, #tpu.memory_space<vmem>>
        %dma_start3A_1388 = arith.constant 0 : i32
        %dma_start3A_1389 = tpu.memref_slice %arg2[%multiple_of3A_1376, %dma_start3A_1388] : memref<6400x128xi32, #tpu.memory_space<hbm>> -> memref<4x128xi32, #tpu.memory_space<hbm>>
        tpu.enqueue_dma source(%dma_start3A_1389 : memref<4x128xi32, #tpu.memory_space<hbm>>) target(%dma_start3A_1387 : memref<4x128xi32, #tpu.memory_space<vmem>>) target_semaphore(%arg9 : memref<!tpu.dma_semaphore, #tpu.memory_space<semaphore_mem>>)
      } else {
      }
      %ge3A_1366 = arith.constant 1 : i32
      %ge3A_1367 = arith.cmpi sge, %add3A_776, %ge3A_1366 : i32
      %convert_element_type3A_1368 = arith.extui %ge3A_1367 : i1 to i32
      %cond3A_1369 = arith.constant 0 : i32
      %cond3A_1370 = arith.cmpi ne, %convert_element_type3A_1368, %cond3A_1369 : i32
      scf.if %cond3A_1370 {
        %dma_wait3A_1371 = arith.constant 0 : i32
        %dma_wait3A_1372 = arith.constant 0 : i32
        %dma_wait3A_1373 = arith.constant 0 : i32
        %dma_wait3A_1374 = arith.constant 0 : i32
        %dma_wait3A_1375 = arith.constant 0 : i32
        %dma_wait3A_1376 = tpu.memref_slice %arg7[%dma_wait3A_1373, %dma_wait3A_1374, %dma_wait3A_1375] : memref<2x512x64xf32, #tpu.memory_space<vmem>> -> memref<1x512x64xf32, #tpu.memory_space<vmem>>
        %dma_wait3A_1377 = tpu.memref_squeeze %dma_wait3A_1376 : memref<1x512x64xf32, #tpu.memory_space<vmem>> -> memref<512x64xf32, #tpu.memory_space<vmem>>
        %dma_wait3A_1378 = arith.constant 0 : i32
        %dma_wait3A_1379 = arith.constant 0 : i32
        %dma_wait3A_1380 = tpu.memref_slice %dma_wait3A_1377[%dma_wait3A_1378, %dma_wait3A_1379] : memref<512x64xf32, #tpu.memory_space<vmem>> -> memref<128x64xf32, #tpu.memory_space<vmem>>
        %dma_wait3A_1381 = arith.constant 0 : i32
        %dma_wait3A_1382 = arith.constant 0 : i32
        %dma_wait3A_1383 = tpu.memref_slice %arg6[%dma_wait3A_1371, %dma_wait3A_1381, %dma_wait3A_1382] : memref<2x4x128xi32, #tpu.memory_space<vmem>> -> memref<1x4x128xi32, #tpu.memory_space<vmem>>
        %dma_wait3A_1384 = tpu.memref_squeeze %dma_wait3A_1383 : memref<1x4x128xi32, #tpu.memory_space<vmem>> -> memref<4x128xi32, #tpu.memory_space<vmem>>
        %dma_wait3A_1385 = arith.constant 0 : i32
        %dma_wait3A_1386 = tpu.memref_slice %dma_wait3A_1384[%dma_wait3A_1372, %dma_wait3A_1385] : memref<4x128xi32, #tpu.memory_space<vmem>> -> memref<1x128xi32, #tpu.memory_space<vmem>>
        %dma_wait3A_1387 = tpu.memref_squeeze %dma_wait3A_1386 : memref<1x128xi32, #tpu.memory_space<vmem>> -> memref<128xi32, #tpu.memory_space<vmem>>
        %dma_wait3A_1388 = arith.constant 0 : i32
        %dma_wait3A_1389 = arith.constant 0 : i32
        %dma_wait3A_1390 = tpu.memref_slice %arg3[%dma_wait3A_1388, %dma_wait3A_1389] : memref<2000000x64xf32, #tpu.memory_space<hbm>> -> memref<2000000x64xf32, #tpu.memory_space<hbm>>
        tpu.wait_indirect_dma semaphore(%arg10 : memref<!tpu.dma_semaphore, #tpu.memory_space<semaphore_mem>>) src(%dma_wait3A_1390 : memref<2000000x64xf32, #tpu.memory_space<hbm>>) dst(%dma_wait3A_1380 : memref<128x64xf32, #tpu.memory_space<vmem>>)
        %dma_wait3A_1391 = arith.constant 0 : i32
        %dma_wait3A_1392 = arith.constant 1 : i32
        %dma_wait3A_1393 = arith.constant 0 : i32
        %dma_wait3A_1394 = arith.constant 0 : i32
        %dma_wait3A_1395 = arith.constant 0 : i32
        %dma_wait3A_1396 = tpu.memref_slice %arg7[%dma_wait3A_1393, %dma_wait3A_1394, %dma_wait3A_1395] : memref<2x512x64xf32, #tpu.memory_space<vmem>> -> memref<1x512x64xf32, #tpu.memory_space<vmem>>
        %dma_wait3A_1397 = tpu.memref_squeeze %dma_wait3A_1396 : memref<1x512x64xf32, #tpu.memory_space<vmem>> -> memref<512x64xf32, #tpu.memory_space<vmem>>
        %dma_wait3A_1398 = arith.constant 128 : i32
        %dma_wait3A_1399 = arith.constant 0 : i32
        %dma_wait3A_1400 = tpu.memref_slice %dma_wait3A_1397[%dma_wait3A_1398, %dma_wait3A_1399] : memref<512x64xf32, #tpu.memory_space<vmem>> -> memref<128x64xf32, #tpu.memory_space<vmem>>
        %dma_wait3A_1401 = arith.constant 0 : i32
        %dma_wait3A_1402 = arith.constant 0 : i32
        %dma_wait3A_1403 = tpu.memref_slice %arg6[%dma_wait3A_1391, %dma_wait3A_1401, %dma_wait3A_1402] : memref<2x4x128xi32, #tpu.memory_space<vmem>> -> memref<1x4x128xi32, #tpu.memory_space<vmem>>
        %dma_wait3A_1404 = tpu.memref_squeeze %dma_wait3A_1403 : memref<1x4x128xi32, #tpu.memory_space<vmem>> -> memref<4x128xi32, #tpu.memory_space<vmem>>
        %dma_wait3A_1405 = arith.constant 0 : i32
        %dma_wait3A_1406 = tpu.memref_slice %dma_wait3A_1404[%dma_wait3A_1392, %dma_wait3A_1405] : memref<4x128xi32, #tpu.memory_space<vmem>> -> memref<1x128xi32, #tpu.memory_space<vmem>>
        %dma_wait3A_1407 = tpu.memref_squeeze %dma_wait3A_1406 : memref<1x128xi32, #tpu.memory_space<vmem>> -> memref<128xi32, #tpu.memory_space<vmem>>
        %dma_wait3A_1408 = arith.constant 0 : i32
        %dma_wait3A_1409 = arith.constant 0 : i32
        %dma_wait3A_1410 = tpu.memref_slice %arg3[%dma_wait3A_1408, %dma_wait3A_1409] : memref<2000000x64xf32, #tpu.memory_space<hbm>> -> memref<2000000x64xf32, #tpu.memory_space<hbm>>
        tpu.wait_indirect_dma semaphore(%arg10 : memref<!tpu.dma_semaphore, #tpu.memory_space<semaphore_mem>>) src(%dma_wait3A_1410 : memref<2000000x64xf32, #tpu.memory_space<hbm>>) dst(%dma_wait3A_1400 : memref<128x64xf32, #tpu.memory_space<vmem>>)
        %dma_wait3A_1411 = arith.constant 0 : i32
        %dma_wait3A_1412 = arith.constant 2 : i32
        %dma_wait3A_1413 = arith.constant 0 : i32
        %dma_wait3A_1414 = arith.constant 0 : i32
        %dma_wait3A_1415 = arith.constant 0 : i32
        %dma_wait3A_1416 = tpu.memref_slice %arg7[%dma_wait3A_1413, %dma_wait3A_1414, %dma_wait3A_1415] : memref<2x512x64xf32, #tpu.memory_space<vmem>> -> memref<1x512x64xf32, #tpu.memory_space<vmem>>
        %dma_wait3A_1417 = tpu.memref_squeeze %dma_wait3A_1416 : memref<1x512x64xf32, #tpu.memory_space<vmem>> -> memref<512x64xf32, #tpu.memory_space<vmem>>
        %dma_wait3A_1418 = arith.constant 256 : i32
        %dma_wait3A_1419 = arith.constant 0 : i32
        %dma_wait3A_1420 = tpu.memref_slice %dma_wait3A_1417[%dma_wait3A_1418, %dma_wait3A_1419] : memref<512x64xf32, #tpu.memory_space<vmem>> -> memref<128x64xf32, #tpu.memory_space<vmem>>
        %dma_wait3A_1421 = arith.constant 0 : i32
        %dma_wait3A_1422 = arith.constant 0 : i32
        %dma_wait3A_1423 = tpu.memref_slice %arg6[%dma_wait3A_1411, %dma_wait3A_1421, %dma_wait3A_1422] : memref<2x4x128xi32, #tpu.memory_space<vmem>> -> memref<1x4x128xi32, #tpu.memory_space<vmem>>
        %dma_wait3A_1424 = tpu.memref_squeeze %dma_wait3A_1423 : memref<1x4x128xi32, #tpu.memory_space<vmem>> -> memref<4x128xi32, #tpu.memory_space<vmem>>
        %dma_wait3A_1425 = arith.constant 0 : i32
        %dma_wait3A_1426 = tpu.memref_slice %dma_wait3A_1424[%dma_wait3A_1412, %dma_wait3A_1425] : memref<4x128xi32, #tpu.memory_space<vmem>> -> memref<1x128xi32, #tpu.memory_space<vmem>>
        %dma_wait3A_1427 = tpu.memref_squeeze %dma_wait3A_1426 : memref<1x128xi32, #tpu.memory_space<vmem>> -> memref<128xi32, #tpu.memory_space<vmem>>
        %dma_wait3A_1428 = arith.constant 0 : i32
        %dma_wait3A_1429 = arith.constant 0 : i32
        %dma_wait3A_1430 = tpu.memref_slice %arg3[%dma_wait3A_1428, %dma_wait3A_1429] : memref<2000000x64xf32, #tpu.memory_space<hbm>> -> memref<2000000x64xf32, #tpu.memory_space<hbm>>
        tpu.wait_indirect_dma semaphore(%arg10 : memref<!tpu.dma_semaphore, #tpu.memory_space<semaphore_mem>>) src(%dma_wait3A_1430 : memref<2000000x64xf32, #tpu.memory_space<hbm>>) dst(%dma_wait3A_1420 : memref<128x64xf32, #tpu.memory_space<vmem>>)
        %dma_wait3A_1431 = arith.constant 0 : i32
        %dma_wait3A_1432 = arith.constant 3 : i32
        %dma_wait3A_1433 = arith.constant 0 : i32
        %dma_wait3A_1434 = arith.constant 0 : i32
        %dma_wait3A_1435 = arith.constant 0 : i32
        %dma_wait3A_1436 = tpu.memref_slice %arg7[%dma_wait3A_1433, %dma_wait3A_1434, %dma_wait3A_1435] : memref<2x512x64xf32, #tpu.memory_space<vmem>> -> memref<1x512x64xf32, #tpu.memory_space<vmem>>
        %dma_wait3A_1437 = tpu.memref_squeeze %dma_wait3A_1436 : memref<1x512x64xf32, #tpu.memory_space<vmem>> -> memref<512x64xf32, #tpu.memory_space<vmem>>
        %dma_wait3A_1438 = arith.constant 384 : i32
        %dma_wait3A_1439 = arith.constant 0 : i32
        %dma_wait3A_1440 = tpu.memref_slice %dma_wait3A_1437[%dma_wait3A_1438, %dma_wait3A_1439] : memref<512x64xf32, #tpu.memory_space<vmem>> -> memref<128x64xf32, #tpu.memory_space<vmem>>
        %dma_wait3A_1441 = arith.constant 0 : i32
        %dma_wait3A_1442 = arith.constant 0 : i32
        %dma_wait3A_1443 = tpu.memref_slice %arg6[%dma_wait3A_1431, %dma_wait3A_1441, %dma_wait3A_1442] : memref<2x4x128xi32, #tpu.memory_space<vmem>> -> memref<1x4x128xi32, #tpu.memory_space<vmem>>
        %dma_wait3A_1444 = tpu.memref_squeeze %dma_wait3A_1443 : memref<1x4x128xi32, #tpu.memory_space<vmem>> -> memref<4x128xi32, #tpu.memory_space<vmem>>
        %dma_wait3A_1445 = arith.constant 0 : i32
        %dma_wait3A_1446 = tpu.memref_slice %dma_wait3A_1444[%dma_wait3A_1432, %dma_wait3A_1445] : memref<4x128xi32, #tpu.memory_space<vmem>> -> memref<1x128xi32, #tpu.memory_space<vmem>>
        %dma_wait3A_1447 = tpu.memref_squeeze %dma_wait3A_1446 : memref<1x128xi32, #tpu.memory_space<vmem>> -> memref<128xi32, #tpu.memory_space<vmem>>
        %dma_wait3A_1448 = arith.constant 0 : i32
        %dma_wait3A_1449 = arith.constant 0 : i32
        %dma_wait3A_1450 = tpu.memref_slice %arg3[%dma_wait3A_1448, %dma_wait3A_1449] : memref<2000000x64xf32, #tpu.memory_space<hbm>> -> memref<2000000x64xf32, #tpu.memory_space<hbm>>
        tpu.wait_indirect_dma semaphore(%arg10 : memref<!tpu.dma_semaphore, #tpu.memory_space<semaphore_mem>>) src(%dma_wait3A_1450 : memref<2000000x64xf32, #tpu.memory_space<hbm>>) dst(%dma_wait3A_1440 : memref<128x64xf32, #tpu.memory_space<vmem>>)
        %sub3A_1451 = arith.constant 1 : i32
        %sub3A_1452 = arith.subi %add3A_776, %sub3A_1451 : i32
        %mul3A_1453 = arith.constant 512 : i32
        %mul3A_1454 = arith.muli %sub3A_1452, %mul3A_1453 : i32
        %add3A_1455 = arith.addi %mul3A_2, %mul3A_1454 : i32
        %multiple_of3A_1456 = tpu.assume_multiple %add3A_1455, 512 : i32
        %dma_start3A_1457 = arith.constant 0 : i32
        %dma_start3A_1458 = arith.constant 0 : i32
        %dma_start3A_1459 = arith.constant 0 : i32
        %dma_start3A_1460 = tpu.memref_slice %arg7[%dma_start3A_1457, %dma_start3A_1458, %dma_start3A_1459] : memref<2x512x64xf32, #tpu.memory_space<vmem>> -> memref<1x512x64xf32, #tpu.memory_space<vmem>>
        %dma_start3A_1461 = tpu.memref_squeeze %dma_start3A_1460 : memref<1x512x64xf32, #tpu.memory_space<vmem>> -> memref<512x64xf32, #tpu.memory_space<vmem>>
        %dma_start3A_1462 = arith.constant 0 : i32
        %dma_start3A_1463 = tpu.memref_slice %arg4[%multiple_of3A_1456, %dma_start3A_1462] : memref<819200x128xf32, #tpu.memory_space<hbm>> -> memref<512x64xf32, #tpu.memory_space<hbm>>
        %dma_start3A_1464 = arith.constant 0 : i32
        %dma_start3A_1465 = tpu.memref_slice %arg4[%multiple_of3A_1456, %dma_start3A_1464] : memref<819200x128xf32, #tpu.memory_space<hbm>> -> memref<512x64xf32, #tpu.memory_space<hbm>>
        %dma_start3A_1466 = arith.constant 0 : i32
        %dma_start3A_1467 = arith.constant 0 : i32
        %dma_start3A_1468 = tpu.memref_slice %arg7[%dma_start3A_1457, %dma_start3A_1466, %dma_start3A_1467] : memref<2x512x64xf32, #tpu.memory_space<vmem>> -> memref<1x512x64xf32, #tpu.memory_space<vmem>>
        %dma_start3A_1469 = tpu.memref_squeeze %dma_start3A_1468 : memref<1x512x64xf32, #tpu.memory_space<vmem>> -> memref<512x64xf32, #tpu.memory_space<vmem>>
        tpu.enqueue_dma source(%dma_start3A_1469 : memref<512x64xf32, #tpu.memory_space<vmem>>) target(%dma_start3A_1465 : memref<512x64xf32, #tpu.memory_space<hbm>>) target_semaphore(%arg12 : memref<!tpu.dma_semaphore, #tpu.memory_space<semaphore_mem>>)
      } else {
      }
    }
    %scan3A_52 = arith.constant 25 : i32
    %dma_wait3A = arith.constant 1 : i32
    %dma_wait3A_53 = arith.constant 0 : i32
    %dma_wait3A_54 = arith.constant 1 : i32
    %dma_wait3A_55 = arith.constant 0 : i32
    %dma_wait3A_56 = arith.constant 0 : i32
    %dma_wait3A_57 = tpu.memref_slice %arg7[%dma_wait3A_54, %dma_wait3A_55, %dma_wait3A_56] : memref<2x512x64xf32, #tpu.memory_space<vmem>> -> memref<1x512x64xf32, #tpu.memory_space<vmem>>
    %dma_wait3A_58 = tpu.memref_squeeze %dma_wait3A_57 : memref<1x512x64xf32, #tpu.memory_space<vmem>> -> memref<512x64xf32, #tpu.memory_space<vmem>>
    %dma_wait3A_59 = arith.constant 0 : i32
    %dma_wait3A_60 = arith.constant 0 : i32
    %dma_wait3A_61 = tpu.memref_slice %dma_wait3A_58[%dma_wait3A_59, %dma_wait3A_60] : memref<512x64xf32, #tpu.memory_space<vmem>> -> memref<128x64xf32, #tpu.memory_space<vmem>>
    %dma_wait3A_62 = arith.constant 0 : i32
    %dma_wait3A_63 = arith.constant 0 : i32
    %dma_wait3A_64 = tpu.memref_slice %arg6[%dma_wait3A, %dma_wait3A_62, %dma_wait3A_63] : memref<2x4x128xi32, #tpu.memory_space<vmem>> -> memref<1x4x128xi32, #tpu.memory_space<vmem>>
    %dma_wait3A_65 = tpu.memref_squeeze %dma_wait3A_64 : memref<1x4x128xi32, #tpu.memory_space<vmem>> -> memref<4x128xi32, #tpu.memory_space<vmem>>
    %dma_wait3A_66 = arith.constant 0 : i32
    %dma_wait3A_67 = tpu.memref_slice %dma_wait3A_65[%dma_wait3A_53, %dma_wait3A_66] : memref<4x128xi32, #tpu.memory_space<vmem>> -> memref<1x128xi32, #tpu.memory_space<vmem>>
    %dma_wait3A_68 = tpu.memref_squeeze %dma_wait3A_67 : memref<1x128xi32, #tpu.memory_space<vmem>> -> memref<128xi32, #tpu.memory_space<vmem>>
    %dma_wait3A_69 = arith.constant 0 : i32
    %dma_wait3A_70 = arith.constant 0 : i32
    %dma_wait3A_71 = tpu.memref_slice %arg3[%dma_wait3A_69, %dma_wait3A_70] : memref<2000000x64xf32, #tpu.memory_space<hbm>> -> memref<2000000x64xf32, #tpu.memory_space<hbm>>
    tpu.wait_indirect_dma semaphore(%arg11 : memref<!tpu.dma_semaphore, #tpu.memory_space<semaphore_mem>>) src(%dma_wait3A_71 : memref<2000000x64xf32, #tpu.memory_space<hbm>>) dst(%dma_wait3A_61 : memref<128x64xf32, #tpu.memory_space<vmem>>)
    %dma_wait3A_72 = arith.constant 1 : i32
    %dma_wait3A_73 = arith.constant 1 : i32
    %dma_wait3A_74 = arith.constant 1 : i32
    %dma_wait3A_75 = arith.constant 0 : i32
    %dma_wait3A_76 = arith.constant 0 : i32
    %dma_wait3A_77 = tpu.memref_slice %arg7[%dma_wait3A_74, %dma_wait3A_75, %dma_wait3A_76] : memref<2x512x64xf32, #tpu.memory_space<vmem>> -> memref<1x512x64xf32, #tpu.memory_space<vmem>>
    %dma_wait3A_78 = tpu.memref_squeeze %dma_wait3A_77 : memref<1x512x64xf32, #tpu.memory_space<vmem>> -> memref<512x64xf32, #tpu.memory_space<vmem>>
    %dma_wait3A_79 = arith.constant 128 : i32
    %dma_wait3A_80 = arith.constant 0 : i32
    %dma_wait3A_81 = tpu.memref_slice %dma_wait3A_78[%dma_wait3A_79, %dma_wait3A_80] : memref<512x64xf32, #tpu.memory_space<vmem>> -> memref<128x64xf32, #tpu.memory_space<vmem>>
    %dma_wait3A_82 = arith.constant 0 : i32
    %dma_wait3A_83 = arith.constant 0 : i32
    %dma_wait3A_84 = tpu.memref_slice %arg6[%dma_wait3A_72, %dma_wait3A_82, %dma_wait3A_83] : memref<2x4x128xi32, #tpu.memory_space<vmem>> -> memref<1x4x128xi32, #tpu.memory_space<vmem>>
    %dma_wait3A_85 = tpu.memref_squeeze %dma_wait3A_84 : memref<1x4x128xi32, #tpu.memory_space<vmem>> -> memref<4x128xi32, #tpu.memory_space<vmem>>
    %dma_wait3A_86 = arith.constant 0 : i32
    %dma_wait3A_87 = tpu.memref_slice %dma_wait3A_85[%dma_wait3A_73, %dma_wait3A_86] : memref<4x128xi32, #tpu.memory_space<vmem>> -> memref<1x128xi32, #tpu.memory_space<vmem>>
    %dma_wait3A_88 = tpu.memref_squeeze %dma_wait3A_87 : memref<1x128xi32, #tpu.memory_space<vmem>> -> memref<128xi32, #tpu.memory_space<vmem>>
    %dma_wait3A_89 = arith.constant 0 : i32
    %dma_wait3A_90 = arith.constant 0 : i32
    %dma_wait3A_91 = tpu.memref_slice %arg3[%dma_wait3A_89, %dma_wait3A_90] : memref<2000000x64xf32, #tpu.memory_space<hbm>> -> memref<2000000x64xf32, #tpu.memory_space<hbm>>
    tpu.wait_indirect_dma semaphore(%arg11 : memref<!tpu.dma_semaphore, #tpu.memory_space<semaphore_mem>>) src(%dma_wait3A_91 : memref<2000000x64xf32, #tpu.memory_space<hbm>>) dst(%dma_wait3A_81 : memref<128x64xf32, #tpu.memory_space<vmem>>)
    %dma_wait3A_92 = arith.constant 1 : i32
    %dma_wait3A_93 = arith.constant 2 : i32
    %dma_wait3A_94 = arith.constant 1 : i32
    %dma_wait3A_95 = arith.constant 0 : i32
    %dma_wait3A_96 = arith.constant 0 : i32
    %dma_wait3A_97 = tpu.memref_slice %arg7[%dma_wait3A_94, %dma_wait3A_95, %dma_wait3A_96] : memref<2x512x64xf32, #tpu.memory_space<vmem>> -> memref<1x512x64xf32, #tpu.memory_space<vmem>>
    %dma_wait3A_98 = tpu.memref_squeeze %dma_wait3A_97 : memref<1x512x64xf32, #tpu.memory_space<vmem>> -> memref<512x64xf32, #tpu.memory_space<vmem>>
    %dma_wait3A_99 = arith.constant 256 : i32
    %dma_wait3A_100 = arith.constant 0 : i32
    %dma_wait3A_101 = tpu.memref_slice %dma_wait3A_98[%dma_wait3A_99, %dma_wait3A_100] : memref<512x64xf32, #tpu.memory_space<vmem>> -> memref<128x64xf32, #tpu.memory_space<vmem>>
    %dma_wait3A_102 = arith.constant 0 : i32
    %dma_wait3A_103 = arith.constant 0 : i32
    %dma_wait3A_104 = tpu.memref_slice %arg6[%dma_wait3A_92, %dma_wait3A_102, %dma_wait3A_103] : memref<2x4x128xi32, #tpu.memory_space<vmem>> -> memref<1x4x128xi32, #tpu.memory_space<vmem>>
    %dma_wait3A_105 = tpu.memref_squeeze %dma_wait3A_104 : memref<1x4x128xi32, #tpu.memory_space<vmem>> -> memref<4x128xi32, #tpu.memory_space<vmem>>
    %dma_wait3A_106 = arith.constant 0 : i32
    %dma_wait3A_107 = tpu.memref_slice %dma_wait3A_105[%dma_wait3A_93, %dma_wait3A_106] : memref<4x128xi32, #tpu.memory_space<vmem>> -> memref<1x128xi32, #tpu.memory_space<vmem>>
    %dma_wait3A_108 = tpu.memref_squeeze %dma_wait3A_107 : memref<1x128xi32, #tpu.memory_space<vmem>> -> memref<128xi32, #tpu.memory_space<vmem>>
    %dma_wait3A_109 = arith.constant 0 : i32
    %dma_wait3A_110 = arith.constant 0 : i32
    %dma_wait3A_111 = tpu.memref_slice %arg3[%dma_wait3A_109, %dma_wait3A_110] : memref<2000000x64xf32, #tpu.memory_space<hbm>> -> memref<2000000x64xf32, #tpu.memory_space<hbm>>
    tpu.wait_indirect_dma semaphore(%arg11 : memref<!tpu.dma_semaphore, #tpu.memory_space<semaphore_mem>>) src(%dma_wait3A_111 : memref<2000000x64xf32, #tpu.memory_space<hbm>>) dst(%dma_wait3A_101 : memref<128x64xf32, #tpu.memory_space<vmem>>)
    %dma_wait3A_112 = arith.constant 1 : i32
    %dma_wait3A_113 = arith.constant 3 : i32
    %dma_wait3A_114 = arith.constant 1 : i32
    %dma_wait3A_115 = arith.constant 0 : i32
    %dma_wait3A_116 = arith.constant 0 : i32
    %dma_wait3A_117 = tpu.memref_slice %arg7[%dma_wait3A_114, %dma_wait3A_115, %dma_wait3A_116] : memref<2x512x64xf32, #tpu.memory_space<vmem>> -> memref<1x512x64xf32, #tpu.memory_space<vmem>>
    %dma_wait3A_118 = tpu.memref_squeeze %dma_wait3A_117 : memref<1x512x64xf32, #tpu.memory_space<vmem>> -> memref<512x64xf32, #tpu.memory_space<vmem>>
    %dma_wait3A_119 = arith.constant 384 : i32
    %dma_wait3A_120 = arith.constant 0 : i32
    %dma_wait3A_121 = tpu.memref_slice %dma_wait3A_118[%dma_wait3A_119, %dma_wait3A_120] : memref<512x64xf32, #tpu.memory_space<vmem>> -> memref<128x64xf32, #tpu.memory_space<vmem>>
    %dma_wait3A_122 = arith.constant 0 : i32
    %dma_wait3A_123 = arith.constant 0 : i32
    %dma_wait3A_124 = tpu.memref_slice %arg6[%dma_wait3A_112, %dma_wait3A_122, %dma_wait3A_123] : memref<2x4x128xi32, #tpu.memory_space<vmem>> -> memref<1x4x128xi32, #tpu.memory_space<vmem>>
    %dma_wait3A_125 = tpu.memref_squeeze %dma_wait3A_124 : memref<1x4x128xi32, #tpu.memory_space<vmem>> -> memref<4x128xi32, #tpu.memory_space<vmem>>
    %dma_wait3A_126 = arith.constant 0 : i32
    %dma_wait3A_127 = tpu.memref_slice %dma_wait3A_125[%dma_wait3A_113, %dma_wait3A_126] : memref<4x128xi32, #tpu.memory_space<vmem>> -> memref<1x128xi32, #tpu.memory_space<vmem>>
    %dma_wait3A_128 = tpu.memref_squeeze %dma_wait3A_127 : memref<1x128xi32, #tpu.memory_space<vmem>> -> memref<128xi32, #tpu.memory_space<vmem>>
    %dma_wait3A_129 = arith.constant 0 : i32
    %dma_wait3A_130 = arith.constant 0 : i32
    %dma_wait3A_131 = tpu.memref_slice %arg3[%dma_wait3A_129, %dma_wait3A_130] : memref<2000000x64xf32, #tpu.memory_space<hbm>> -> memref<2000000x64xf32, #tpu.memory_space<hbm>>
    tpu.wait_indirect_dma semaphore(%arg11 : memref<!tpu.dma_semaphore, #tpu.memory_space<semaphore_mem>>) src(%dma_wait3A_131 : memref<2000000x64xf32, #tpu.memory_space<hbm>>) dst(%dma_wait3A_121 : memref<128x64xf32, #tpu.memory_space<vmem>>)
    %add3A_132 = arith.constant 25088 : i32
    %add3A_133 = arith.addi %mul3A_2, %add3A_132 : i32
    %multiple_of3A_134 = tpu.assume_multiple %add3A_133, 512 : i32
    %dma_start3A_135 = arith.constant 1 : i32
    %dma_start3A_136 = arith.constant 0 : i32
    %dma_start3A_137 = arith.constant 0 : i32
    %dma_start3A_138 = tpu.memref_slice %arg7[%dma_start3A_135, %dma_start3A_136, %dma_start3A_137] : memref<2x512x64xf32, #tpu.memory_space<vmem>> -> memref<1x512x64xf32, #tpu.memory_space<vmem>>
    %dma_start3A_139 = tpu.memref_squeeze %dma_start3A_138 : memref<1x512x64xf32, #tpu.memory_space<vmem>> -> memref<512x64xf32, #tpu.memory_space<vmem>>
    %dma_start3A_140 = arith.constant 0 : i32
    %dma_start3A_141 = tpu.memref_slice %arg4[%multiple_of3A_134, %dma_start3A_140] : memref<819200x128xf32, #tpu.memory_space<hbm>> -> memref<512x64xf32, #tpu.memory_space<hbm>>
    %dma_start3A_142 = arith.constant 0 : i32
    %dma_start3A_143 = tpu.memref_slice %arg4[%multiple_of3A_134, %dma_start3A_142] : memref<819200x128xf32, #tpu.memory_space<hbm>> -> memref<512x64xf32, #tpu.memory_space<hbm>>
    %dma_start3A_144 = arith.constant 0 : i32
    %dma_start3A_145 = arith.constant 0 : i32
    %dma_start3A_146 = tpu.memref_slice %arg7[%dma_start3A_135, %dma_start3A_144, %dma_start3A_145] : memref<2x512x64xf32, #tpu.memory_space<vmem>> -> memref<1x512x64xf32, #tpu.memory_space<vmem>>
    %dma_start3A_147 = tpu.memref_squeeze %dma_start3A_146 : memref<1x512x64xf32, #tpu.memory_space<vmem>> -> memref<512x64xf32, #tpu.memory_space<vmem>>
    tpu.enqueue_dma source(%dma_start3A_147 : memref<512x64xf32, #tpu.memory_space<vmem>>) target(%dma_start3A_143 : memref<512x64xf32, #tpu.memory_space<hbm>>) target_semaphore(%arg13 : memref<!tpu.dma_semaphore, #tpu.memory_space<semaphore_mem>>)
    %add3A_148 = arith.constant 24576 : i32
    %add3A_149 = arith.addi %mul3A_2, %add3A_148 : i32
    %multiple_of3A_150 = tpu.assume_multiple %add3A_149, 512 : i32
    %dma_wait3A_151 = arith.constant 0 : i32
    %dma_wait3A_152 = arith.constant 0 : i32
    %dma_wait3A_153 = arith.constant 0 : i32
    %dma_wait3A_154 = tpu.memref_slice %arg7[%dma_wait3A_151, %dma_wait3A_152, %dma_wait3A_153] : memref<2x512x64xf32, #tpu.memory_space<vmem>> -> memref<1x512x64xf32, #tpu.memory_space<vmem>>
    %dma_wait3A_155 = tpu.memref_squeeze %dma_wait3A_154 : memref<1x512x64xf32, #tpu.memory_space<vmem>> -> memref<512x64xf32, #tpu.memory_space<vmem>>
    %dma_wait3A_156 = arith.constant 0 : i32
    %dma_wait3A_157 = tpu.memref_slice %arg4[%multiple_of3A_150, %dma_wait3A_156] : memref<819200x128xf32, #tpu.memory_space<hbm>> -> memref<512x64xf32, #tpu.memory_space<hbm>>
    %dma_wait3A_158 = arith.constant 0 : i32
    %dma_wait3A_159 = tpu.memref_slice %arg4[%multiple_of3A_150, %dma_wait3A_158] : memref<819200x128xf32, #tpu.memory_space<hbm>> -> memref<512x64xf32, #tpu.memory_space<hbm>>
    %dma_wait3A_160 = arith.constant 0 : i32
    %dma_wait3A_161 = arith.constant 0 : i32
    %dma_wait3A_162 = tpu.memref_slice %arg7[%dma_wait3A_151, %dma_wait3A_160, %dma_wait3A_161] : memref<2x512x64xf32, #tpu.memory_space<vmem>> -> memref<1x512x64xf32, #tpu.memory_space<vmem>>
    %dma_wait3A_163 = tpu.memref_squeeze %dma_wait3A_162 : memref<1x512x64xf32, #tpu.memory_space<vmem>> -> memref<512x64xf32, #tpu.memory_space<vmem>>
    tpu.wait_dma2 semaphore(%arg12 : memref<!tpu.dma_semaphore, #tpu.memory_space<semaphore_mem>>) src(%dma_wait3A_163 : memref<512x64xf32, #tpu.memory_space<vmem>>) dst(%dma_wait3A_159 : memref<512x64xf32, #tpu.memory_space<hbm>>)
    %add3A_164 = arith.constant 25088 : i32
    %add3A_165 = arith.addi %mul3A_2, %add3A_164 : i32
    %multiple_of3A_166 = tpu.assume_multiple %add3A_165, 512 : i32
    %dma_wait3A_167 = arith.constant 1 : i32
    %dma_wait3A_168 = arith.constant 0 : i32
    %dma_wait3A_169 = arith.constant 0 : i32
    %dma_wait3A_170 = tpu.memref_slice %arg7[%dma_wait3A_167, %dma_wait3A_168, %dma_wait3A_169] : memref<2x512x64xf32, #tpu.memory_space<vmem>> -> memref<1x512x64xf32, #tpu.memory_space<vmem>>
    %dma_wait3A_171 = tpu.memref_squeeze %dma_wait3A_170 : memref<1x512x64xf32, #tpu.memory_space<vmem>> -> memref<512x64xf32, #tpu.memory_space<vmem>>
    %dma_wait3A_172 = arith.constant 0 : i32
    %dma_wait3A_173 = tpu.memref_slice %arg4[%multiple_of3A_166, %dma_wait3A_172] : memref<819200x128xf32, #tpu.memory_space<hbm>> -> memref<512x64xf32, #tpu.memory_space<hbm>>
    %dma_wait3A_174 = arith.constant 0 : i32
    %dma_wait3A_175 = tpu.memref_slice %arg4[%multiple_of3A_166, %dma_wait3A_174] : memref<819200x128xf32, #tpu.memory_space<hbm>> -> memref<512x64xf32, #tpu.memory_space<hbm>>
    %dma_wait3A_176 = arith.constant 0 : i32
    %dma_wait3A_177 = arith.constant 0 : i32
    %dma_wait3A_178 = tpu.memref_slice %arg7[%dma_wait3A_167, %dma_wait3A_176, %dma_wait3A_177] : memref<2x512x64xf32, #tpu.memory_space<vmem>> -> memref<1x512x64xf32, #tpu.memory_space<vmem>>
    %dma_wait3A_179 = tpu.memref_squeeze %dma_wait3A_178 : memref<1x512x64xf32, #tpu.memory_space<vmem>> -> memref<512x64xf32, #tpu.memory_space<vmem>>
    tpu.wait_dma2 semaphore(%arg13 : memref<!tpu.dma_semaphore, #tpu.memory_space<semaphore_mem>>) src(%dma_wait3A_179 : memref<512x64xf32, #tpu.memory_space<vmem>>) dst(%dma_wait3A_175 : memref<512x64xf32, #tpu.memory_space<hbm>>)
    return
  }
}

</mosaic_0001>

<sc_bundles>
// kernel: kernel.3.cloned.1.call-start
scs
__scs_entry_jumppad:
0x0: {  	(pc) =	sbr.rel $0x88, $3  }
0x1: {  	(tag) =	ssettag $0x0;
	lr =	simm.s32 $0x1  }
0x2: {  	[smem:$0x3F9F] =	sst lr;
	_ =	strace $0xD0000000  }
0x3: {  	_ = 	snop  }
0x4: {  	_ = 	snop  }
0x5: {  	_ = 	snop  }
0x6: {  	_ = 	snop  }
0x7: {  	_ = 	snop  }
__scs_overlays_trampoline_lowered:
0x8: {  	[smem:$0x3FAE] =	sst s0  }
0x9: {  	[smem:$0x3FAF] =	sst s1  }
0xa: {  	[smem:$0x3FB0] =	sst s2  }
0xb: {  	[smem:$0x3FB1] =	sst s3  }
0xc: {  	[smem:$0x3FB2] =	sst s4  }
0xd: {  	[smem:$0x3FB3] =	sst s5  }
0xe: {  	[smem:$0x3FB4] =	sst s6  }
0xf: {  	[smem:$0x3FB5] =	sst s7  }
0x10: {  	[smem:$0x3FB6] =	sst s8  }
0x11: {  	[smem:$0x3FB7] =	sst s9;
	s0 =	simm.s32 @!p0 $0x0  }
0x12: {  	s1 =	sld [smem:$0x3F9D];
	s0 =	simm.s32 @p0 $0x1  }
0x13: {  	[smem:$0x3FB8] =	sst s0;
	s0 =	simm.s32 @!p1 $0x0  }
0x14: {  	s2 =	sld [smem:$0x3F9C];
	s0 =	simm.s32 @p1 $0x1  }
0x15: {  	[smem:$0x3FB9] =	sst s0;
	s0 =	simm.s32 @!p2 $0x0  }
0x16: {  	s3 =	sld [smem:$0x3FDB];
	s0 =	simm.s32 @p2 $0x1  }
0x17: {  	s4 =	simm.s32 $0x1BF5;
	[smem:$0x3FBB] =	sst s0  }
0x18: {  	s0 =	sld [smem:$0x3F9E];
	_ =	swait.ge [sflag:s4], $0x0  }
0x19: {  	s7 =	sld [smem:$0x3F9F]  }
0x1a: {  	s8 =	sadd.s32 $0xFFFFE003, lr  }
0x1b: {  	s9 =	sadd.s32 $0xFFFFFEF7, lr;
	s5 =	simm.s32 $0xFFFFFFFF;
	p2 =	slt.u32 s8, $0xFFFFF086  }
0x1c: {  	p1 =	slt.u32 s9, $0xF7A;
	s5 =	simm.s32 @!p2 $0x0  }
0x1d: {  	s5 =	simm.s32 @p1 $0x1;
	p0 =	seq.s32 s7, s2  }
0x1e: {  	s7 =	smul.u32 @!p0 $0xF7A, s2;
	p2 =	seq.s32 @!p0 s5, $0x0  }
0x1f: {  	s9 =	smul.u32 $0xF7A, s1;
	s8 =	simm.s32 @!p0 $0x1BF5;
	p2 =	por !p2, p0  }
0x20: {  	[sflag:s8] =	ssyncset.s32 @!p0 $0xFFFFF086;
	s6 =	sadd.s32 @!p0 s3, s7;
	s7 =	simm.s32 @!p0 $0x108  }
0x21: {  	s3 =	sadd.s32 s3, s9;
	s6 =	sadd.s32 @!p0 $0x88, s6;
	s7 =	simm.s32 @p2 $0x1082  }
0x22: {  	[simem:s7], [sflag:s8] =	dma.local @!p0 [hbm:s6], $0xF7A  }
0x23: {  	s9 =	sor.u32 $0xD0000000, s2;
	s6 =	simm.s32 $0x108;
	_ =	swait.ge @!p0 [sflag:s8], $0x0  }
0x24: {  	s3 =	sadd.s32 $0x88, s3;
	s6 =	simm.s32 @!p1 $0x1082;
	[sflag:s4] =	ssyncset.s32 $0xFFFFF086  }
0x25: {  	[simem:s6], [sflag:s4] =	dma.local [hbm:s3], $0xF7A  }
0x26: {  	[smem:$0x3F9F] =	sst s1;
	(tag) =	ssettag s2;
	_ =	strace s9  }
0x27: {  	s1 =	sld [smem:$0x3FAF]  }
0x28: {  	s2 =	sld [smem:$0x3FB0]  }
0x29: {  	s4 =	sld [smem:$0x3FB2]  }
0x2a: {  	p0 =	seq.s32 s5, $0x0;
	s5 =	sld [smem:$0x3FB3]  }
0x2b: {  	s6 =	sld [smem:$0x3FB4]  }
0x2c: {  	s7 =	sld [smem:$0x3FB5]  }
0x2d: {  	s3 =	simm.s32 $0x108;
	s8 =	sld [smem:$0x3FB6]  }
0x2e: {  	s3 =	simm.s32 @!p0 $0x1082;
	s9 =	sld [smem:$0x3FB7]  }
0x2f: {  	lr =	sadd.s32 s0, s3;
	s0 =	sld [smem:$0x3FAE]  }
0x30: {  	s3 =	sld [smem:$0x3FB1]  }
0x31: {  	[smem:$0x3FBA] =	sst s10  }
0x32: {  	s10 =	sld [smem:$0x3FB8];
	_ =	sdelay $0x3  }
0x33: {  	p0 =	seq.s32 s10, $0x1;
	s10 =	sld [smem:$0x3FBA];
	_ =	sdelay $0x3  }
0x34: {  	[smem:$0x3FBA] =	sst s10  }
0x35: {  	s10 =	sld [smem:$0x3FB9];
	_ =	sdelay $0x3  }
0x36: {  	p1 =	seq.s32 s10, $0x1;
	s10 =	sld [smem:$0x3FBA];
	_ =	sdelay $0x3  }
0x37: {  	[smem:$0x3FBA] =	sst s10  }
0x38: {  	s10 =	sld [smem:$0x3FBB]  }
0x39: {  	_ = 	snop;
	(pc) =	sbr.ind lr, $3  }
0x3a: {  	_ = 	snop  }
0x3b: {  	_ = 	snop  }
0x3c: {  	p2 =	seq.s32 s10, $0x1;
	s10 =	sld [smem:$0x3FBA]  }
0x3d: {  	_ =	shalt  }
0x3e: {  	_ =	shalt  }
0x3f: {  	_ =	shalt  }
0x40: {  	_ =	shalt  }
0x41: {  	_ =	shalt  }
0x42: {  	_ =	shalt  }
0x43: {  	_ =	shalt  }
0x44: {  	_ =	shalt  }
0x45: {  	_ =	shalt  }
0x46: {  	_ =	shalt  }
0x47: {  	_ =	shalt  }
0x48: {  	_ =	shalt  }
0x49: {  	_ =	shalt  }
0x4a: {  	_ =	shalt  }
0x4b: {  	_ =	shalt  }
0x4c: {  	_ =	shalt  }
0x4d: {  	_ =	shalt  }
0x4e: {  	_ =	shalt  }
0x4f: {  	_ =	shalt  }
0x50: {  	_ =	shalt  }
0x51: {  	_ =	shalt  }
0x52: {  	_ =	shalt  }
0x53: {  	_ =	shalt  }
0x54: {  	_ =	shalt  }
0x55: {  	_ =	shalt  }
0x56: {  	_ =	shalt  }
0x57: {  	_ =	shalt  }
0x58: {  	_ =	shalt  }
0x59: {  	_ =	shalt  }
0x5a: {  	_ =	shalt  }
0x5b: {  	_ =	shalt  }
0x5c: {  	_ =	shalt  }
0x5d: {  	_ =	shalt  }
0x5e: {  	_ =	shalt  }
0x5f: {  	_ =	shalt  }
0x60: {  	_ =	shalt  }
0x61: {  	_ =	shalt  }
0x62: {  	_ =	shalt  }
0x63: {  	_ =	shalt  }
0x64: {  	_ =	shalt  }
0x65: {  	_ =	shalt  }
0x66: {  	_ =	shalt  }
0x67: {  	_ =	shalt  }
0x68: {  	_ =	shalt  }
0x69: {  	_ =	shalt  }
0x6a: {  	_ =	shalt  }
0x6b: {  	_ =	shalt  }
0x6c: {  	_ =	shalt  }
0x6d: {  	_ =	shalt  }
0x6e: {  	_ =	shalt  }
0x6f: {  	_ =	shalt  }
0x70: {  	_ =	shalt  }
0x71: {  	_ =	shalt  }
0x72: {  	_ =	shalt  }
0x73: {  	_ =	shalt  }
0x74: {  	_ =	shalt  }
0x75: {  	_ =	shalt  }
0x76: {  	_ =	shalt  }
0x77: {  	_ =	shalt  }
0x78: {  	_ =	shalt  }
0x79: {  	_ =	shalt  }
0x7a: {  	_ =	shalt  }
0x7b: {  	_ =	shalt  }
0x7c: {  	_ =	shalt  }
0x7d: {  	_ =	shalt  }
0x7e: {  	_ =	shalt  }
0x7f: {  	_ =	shalt  }
0x80: {  	_ =	shalt  }
0x81: {  	_ =	shalt  }
0x82: {  	_ =	shalt  }
0x83: {  	_ =	shalt  }
0x84: {  	_ =	shalt  }
0x85: {  	_ =	shalt  }
0x86: {  	_ =	shalt  }
0x87: {  	_ =	shalt  }
.Lfunc_end0:
.L_simem_size_0:
called_computation.2_lowered:
.L_overlay_start_0:
0x88: {  	s2 =	sld [smem:$0x3FD9]  }
0x89: {  	s3 =	sld [smem:$0x3FFE];
	_ =	sdelay $0x1  }
0x8a: {  	s1 =	srdreg.scid  }
0x8b: {  	s0 =	sand.u32 $0x1, s1  }
0x8c: {  	s17 =	sshll.u32 s0, $0xA;
	s2 =	sadd.s32 s3, s2  }
0x8d: {  	s2 =	sadd.s32 s2, s17  }
0x8e: {  	[smem:$0x3FC6] =	sst s2  }
0x8f: {  	_ = 	snop  }
0x90: {  	s2 =	sld [smem:$0x3FD0];
	(tm) =	ssettm $0x1  }
0x91: {  	s18 =	sld [smem:$0x3FFB];
	_ =	sdelay $0x3  }
0x92: {  	_ =	strace s18  }
0x93: {  	s3 =	sld [smem:$0x3FFC];
	_ =	sdelay $0x3  }
0x94: {  	_ =	strace s3  }
0x95: {  	s3 =	sld [smem:$0x3FFD];
	_ =	sdelay $0x3  }
0x96: {  	_ =	strace s3  }
0x97: {  	_ =	strace $0x8FFFFFFF  }
0x98: {  	s19 =	sld [smem:$0x3FDB];
	_ =	sdelay $0x1  }
0x99: {  	s4 =	simm.s32 $_scs_section_size  }
0x9a: {  	s5 =	simm.s32 $_size__tile_overlayer_lowered;
	s6 =	simm.s32 $_tile_overlayer_lowered  }
0x9b: {  	s22 =	simm.s32 $0x1BFF;
	s21 =	sshll.u32 s6, $0x1;
	s3 =	sadd.s32 s4, s19  }
0x9c: {  	s7 =	simm.s32 $0x0;
	s20 =	sshll.u32 s5, $0x1;
	s5 =	sadd.s32 s21, s3  }
0x9d: {  	[timem:s7], [sflag:s22] =	dma.local [hbm:s5], s20  }
0x9e: {  	_ =	swait.ge [sflag:s22], s20  }
0x9f: {  	s4 =	ssub.s32 $0x0, s20;
	[sflag:s22] =	ssyncset.done $0x0  }
0xa0: {  	[sflag:s22] =	ssyncadd.s32 s4;
	_ =	sdelay $0x1  }
0xa1: {  	s23 =	simm.s32 $0x1B8B  }
0xa2: {  	_ =	swait.ge [sflag:s23], $0x1  }
0xa3: {  	[sflag:s23] =	ssyncset.done $0x0  }
0xa4: {  	s25 =	simm.s32 $0x1B8E;
	s24 =	sld [smem:$0x3FFE];
	[sflag:s23] =	ssyncadd.s32 $0xFFFFFFFF  }
0xa5: {  	s26 =	simm.s32 $execute0_lowered;
	[smem:$0x3FD2] =	sst s25  }
0xa6: {  	s5 =	sshll.u32 s26, $0x1;
	_ =	strace $0x80000049;
	[dreg:$0x1] =	wrdreg $0xFFFFFFFF  }
0xa7: {  	s28 =	simm.s32 $_size_execute0_lowered;
	s3 =	sadd.s32 s3, s5;
	[dreg:$0x0] =	wrdreg $0x0  }
0xa8: {  	s5 =	sshll.u32 s28, $0x1;
	[dreg:$0x2] =	wrdreg s3  }
0xa9: {  	[dreg:$0x3] =	wrdreg s5  }
0xaa: {  	[dreg:$0x4] =	wrdreg $0xC0  }
0xab: {  	_ =	task [dreg:s7], $0x5FFFF  }
0xac: {  	[dreg:$0x1] =	wrdreg $0xFFFFFFFF  }
0xad: {  	[dreg:$0x0] =	wrdreg $0x60  }
0xae: {  	[dreg:$0x2] =	wrdreg s2  }
0xaf: {  	[dreg:$0x3] =	wrdreg s24  }
0xb0: {  	[dreg:$0x4] =	wrdreg $0x9  }
0xb1: {  	_ =	task.clear_ibuf [dreg:s7], $0x5FFFF;
	_ =	strace $0x90000049  }
0xb2: {  	s29 =	simm.s32 $0x9;
	_ =	strace $0x8000004B  }
0xb3: {  	_ =	swait.ge [sflag:s29], $0x1  }
0xb4: {  	[sflag:s29] =	ssyncadd.s32 $0xFFFFFFFF  }
0xb5: {  	_ =	strace $0x9000004B  }
0xb6: {  	_ =	sfence  }
0xb7: {  	s30 =	sld [smem:$0x0];
	_ =	sdelay $0x2  }
0xb8: {  	s31 =	sshll.u32 s1, $0xD;
	s1 =	sshrl.u32 s1, $0x2  }
0xb9: {  	s3 =	sand.u32 $0x4000, s31;
	s1 =	sadd.s32 s1, s30  }
0xba: {  	s0 =	sor.u32 s3, s0;
	s1 =	sshll.u32 s1, $0x11  }
0xbb: {  	s0 =	sor.u32 s1, s0  }
0xbc: {  	s0 =	sadd.s32 $0x8F2B, s0  }
0xbd: {  	[sflag:s0] =	ssyncadd.remote.s32 $0x1  }
0xbe: {  	_ =	sfence.sel $0xFFFF  }
0xbf: {  	[dreg:$0x0] =	wrdreg $0xFFFFFFFF;
	(pc) =	sbr.abs _section_cstart, $3  }
0xc0: {  	[dreg:$0x1] =	wrdreg $0xFFFFFFFF  }
0xc1: {  	_ =	task.clear_ibuf [dreg:s7], $0x2FFFF;
	_ =	strace $0x9FFFFFFF  }
0xc2: {  	(tm) =	ssettm $0x7FFFFFFF  }
0xc3: {  	_ =	shalt  }
tec
execute0_lowered:
.L_overlay_start_1:
0x0: {  	(tag) =	ssettag $0x1  }
0x1: {  	s1 =	rddreg [dreg:$0x0]  }
0x2: {  	s0 =	rddreg [dreg:$0x1];
	s3 =	simm.s32 $0x0  }
0x3: {  	s2 =	srdreg.scid;
	s9 =	stileid.u32;
	s15 =	simm.s32 $0x1  }
0x4: {  	s28 =	simm.s32 $0x8800;
	s29 =	simm.s32 $0x680;
	s8 =	smul.u32 $0xC800, s9  }
0x5: {  	s30 =	simm.s32 $0xA800;
	s31 =	simm.s32 $0x700;
	s20 =	smul.u32 $0x640000, s9  }
0x6: {  	s2 =	sand.u32 $0x1, s2;
	s16 =	sshll.u32 s9, $0x1;
	s9 =	smul.u32 $0xC8000, s9  }
0x7: {  	s14 =	simm.s32 $0xE800;
	[smem:$0x7FF] =	sst s3;
	s19 =	smul.u32 $0x6400, s2  }
0x8: {  	s4 =	sadd.s32 $0xF43200, s0;
	s5 =	sadd.s32 $0xE00, s0;
	s21 =	smul.u32 $0x320000, s2  }
0x9: {  	s3 =	sor.u32 s2, s16;
	s17 =	ssub.s32 $0x2, s2;
	s2 =	smul.u32 $0x64000, s2  }
0xa: {  	_ =	strace $0x8000004A;
	s6 =	smul.u32 $0x6400, s3;
	s7 =	sshrl.u32 s17, $0x1  }
0xb: {  	s16 =	simm.s32 $0x80;
	s3 =	smul.u32 $0x320000, s3;
	s0 =	ssub.s32 s17, s7  }
0xc: {  	s26 =	sadd.s32 s2, s9;
	s17 =	simm.s32 $0x400;
	s2 =	simm.s32 $0x780  }
0xd: {  	s9 =	simm.s32 $0x0;
	s6 =	sshrl.u32 s6, $0x3;
	s3 =	sshrl.u32 s3, $0x3  }
0xe: {  	s0 =	smax.u32 s0, $0x1;
	s13 =	sadd.s32 $0x1FFFE000, s26;
	s26 =	simm.s32 $0x600  }
0xf: {  	s18 =	sadd.s32 s1, s6;
	s3 =	sadd.s32 s5, s3;
	s6 =	sadd.s32 s19, s8  }
0x10: {  	[dreg:$0x6] =	wrdreg s0;
	s19 =	simm.s32 $0x480;
	s0 =	simm.s32 $0xC800  }
0x11: {  	s8 =	simm.s32 $0x4;
	[dreg:$0x3] =	wrdreg s18;
	s7 =	sadd.s32 $0x40, s18  }
0x12: {  	s3 =	sadd.s32 $0x62000, s3;
	s22 =	sadd.s32 $0x600, s6;
	[dreg:$0x4] =	wrdreg s7  }
0x13: {  	s25 =	sadd.s32 $0x400, s6;
	s18 =	simm.s32 $0x800;
	[dreg:$0x5] =	wrdreg s3  }
0x14: {  	s3 =	sshrl.u32 s22, $0x3;
	s7 =	sadd.s32 s21, s20;
	[dreg:$0x8] =	wrdreg s25  }
0x15: {  	s20 =	simm.s32 $0x2800;
	s21 =	simm.s32 $0x500;
	s22 =	simm.s32 $0x4800  }
0x16: {  	s25 =	simm.s32 $0x2;
	s23 =	sadd.s32 s3, s1;
	s24 =	sshrl.u32 s7, $0x3  }
0x17: {  	s3 =	simm.s32 $0x3;
	s7 =	simm.s32 $0x40;
	[dreg:$0x7] =	wrdreg s23  }
0x18: {  	s12 =	sadd.s32 s24, s5;
	s23 =	simm.s32 $0x580;
	s24 =	simm.s32 $0x6800  }
.LBB2_1:
0x19: {  	[dreg:$0x9] =	wrdreg s9  }
0x1a: {  	s6 =	rddreg [dreg:$0x3]  }
0x1b: {  	s1 =	simm.s32 $0x0;
	s10 =	rddreg [dreg:$0x4]  }
0x1c: {  	[tilespmem:s1], [sflag:$0x1] =	stream.linear.gather [hbm4b:s6+s1], $0x200, $0x38;
	[tilespmem:$0x10800] =	vst v63  }
0x1d: {  	s11 =	simm.s32 $0x200;
	s9 =	rddreg [dreg:$0x7]  }
0x1e: {  	[tilespmem:s11], [sflag:$0x2] =	stream.linear.gather [hbm4b:s10+s1], $0x200, $0x38;
	[tilespmem:$0x10800] =	vst v63  }
0x1f: {  	s6 =	rddreg [dreg:$0x8];
	s11 =	simm.s32 $0x0  }
.LBB2_2:
0x20: {  	_ =	swait.ge [sflag:s15], $0x200  }
0x21: {  	[sflag:s15] =	ssyncset.done $0x0  }
0x22: {  	[sflag:s15] =	ssyncadd.s32 $0xFFFFFE00  }
0x23: {  	v0 =	vld [tilespmem:$0x0]  }
0x24: {  	v1 =	vld [tilespmem:$0x10]  }
0x25: {  	v2 =	vld [tilespmem:$0x20]  }
0x26: {  	v3 =	vld [tilespmem:$0x30]  }
0x27: {  	v4 =	vld [tilespmem:$0x40]  }
0x28: {  	v5 =	vld [tilespmem:$0x50];
	v0 =	vshll.u32 v0, $0x1  }
0x29: {  	v58 =	vld [tilespmem:$0x60];
	v57 =	vshll.u32 v1, $0x1;
	[tilespmem:$0x400] =	vst v0  }
0x2a: {  	v60 =	vld [tilespmem:$0x70];
	v59 =	vshll.u32 v2, $0x1;
	[tilespmem:$0x410] =	vst v57  }
0x2b: {  	v62 =	vld [tilespmem:$0x80];
	v61 =	vshll.u32 v3, $0x1;
	[tilespmem:$0x420] =	vst v59  }
0x2c: {  	v8 =	vld [tilespmem:$0x90];
	v63 =	vshll.u32 v4, $0x1;
	[tilespmem:$0x430] =	vst v61  }
0x2d: {  	v10 =	vld [tilespmem:$0xA0];
	v9 =	vshll.u32 v5, $0x1;
	[tilespmem:$0x440] =	vst v63  }
0x2e: {  	v12 =	vld [tilespmem:$0xB0];
	v11 =	vshll.u32 v58, $0x1;
	[tilespmem:$0x450] =	vst v9  }
0x2f: {  	v14 =	vld [tilespmem:$0xC0];
	v13 =	vshll.u32 v60, $0x1;
	[tilespmem:$0x460] =	vst v11  }
0x30: {  	v16 =	vld [tilespmem:$0xD0];
	v15 =	vshll.u32 v62, $0x1;
	[tilespmem:$0x470] =	vst v13  }
0x31: {  	v18 =	vld [tilespmem:$0xE0];
	v17 =	vshll.u32 v8, $0x1;
	[tilespmem:$0x480] =	vst v15  }
0x32: {  	v20 =	vld [tilespmem:$0xF0];
	v19 =	vshll.u32 v10, $0x1;
	[tilespmem:$0x490] =	vst v17  }
0x33: {  	v22 =	vld [tilespmem:$0x100];
	v21 =	vshll.u32 v12, $0x1;
	[tilespmem:$0x4A0] =	vst v19  }
0x34: {  	v24 =	vld [tilespmem:$0x110];
	v23 =	vshll.u32 v14, $0x1;
	[tilespmem:$0x4B0] =	vst v21  }
0x35: {  	v26 =	vld [tilespmem:$0x120];
	v25 =	vshll.u32 v16, $0x1;
	[tilespmem:$0x4C0] =	vst v23  }
0x36: {  	v28 =	vld [tilespmem:$0x130];
	v27 =	vshll.u32 v18, $0x1;
	[tilespmem:$0x4D0] =	vst v25  }
0x37: {  	v30 =	vld [tilespmem:$0x140];
	v29 =	vshll.u32 v20, $0x1;
	[tilespmem:$0x4E0] =	vst v27  }
0x38: {  	v32 =	vld [tilespmem:$0x150];
	v31 =	vshll.u32 v22, $0x1;
	[tilespmem:$0x4F0] =	vst v29  }
0x39: {  	v34 =	vld [tilespmem:$0x160];
	v33 =	vshll.u32 v24, $0x1;
	[tilespmem:$0x500] =	vst v31  }
0x3a: {  	v36 =	vld [tilespmem:$0x170];
	v35 =	vshll.u32 v26, $0x1;
	[tilespmem:$0x510] =	vst v33  }
0x3b: {  	v38 =	vld [tilespmem:$0x180];
	v37 =	vshll.u32 v28, $0x1;
	[tilespmem:$0x520] =	vst v35  }
0x3c: {  	v40 =	vld [tilespmem:$0x190];
	v39 =	vshll.u32 v30, $0x1;
	[tilespmem:$0x530] =	vst v37  }
0x3d: {  	v42 =	vld [tilespmem:$0x1A0];
	v41 =	vshll.u32 v32, $0x1;
	[tilespmem:$0x540] =	vst v39  }
0x3e: {  	v44 =	vld [tilespmem:$0x1B0];
	v43 =	vshll.u32 v34, $0x1;
	[tilespmem:$0x550] =	vst v41  }
0x3f: {  	v46 =	vld [tilespmem:$0x1C0];
	v45 =	vshll.u32 v36, $0x1;
	[tilespmem:$0x560] =	vst v43  }
0x40: {  	v48 =	vld [tilespmem:$0x1D0];
	v47 =	vshll.u32 v38, $0x1;
	[tilespmem:$0x570] =	vst v45  }
0x41: {  	v50 =	vld [tilespmem:$0x1E0];
	v49 =	vshll.u32 v40, $0x1;
	[tilespmem:$0x580] =	vst v47  }
0x42: {  	v52 =	vld [tilespmem:$0x1F0];
	v51 =	vshll.u32 v42, $0x1;
	[tilespmem:$0x590] =	vst v49  }
0x43: {  	v53 =	vshll.u32 v44, $0x1;
	[tilespmem:$0x5A0] =	vst v51  }
0x44: {  	v54 =	vshll.u32 v46, $0x1;
	[tilespmem:$0x5B0] =	vst v53  }
0x45: {  	v55 =	vshll.u32 v48, $0x1;
	[tilespmem:$0x5C0] =	vst v54  }
0x46: {  	v56 =	vshll.u32 v50, $0x1;
	[tilespmem:$0x5D0] =	vst v55  }
0x47: {  	p0 =	seq.s32 s11, $0x0;
	[tilespmem:$0x5E0] =	vst v56;
	v57 =	vshll.u32 v52, $0x1  }
0x48: {  	s10 =	simm.s32 @!p0 $0x5;
	[tilespmem:$0x5F0] =	vst v57  }
0x49: {  	_ =	swait.ge @!p0 [sflag:s10], $0x8000  }
0x4a: {  	[sflag:s10] =	ssyncset.done @!p0 $0x0  }
0x4b: {  	[sflag:s10] =	ssyncadd.s32 @!p0 $0xFFFF8000  }
0x4c: {  	[tilespmem:s18], [sflag:$0x3] =	stream.indirect.gather [hbm4b:s4+s16], $0x40, s17, s16, $0xb8;
	[tilespmem:$0x10800] =	vst v63  }
0x4d: {  	_ = 	snop  }
0x4e: {  	[tilespmem:s20], [sflag:$0x3] =	stream.indirect.gather [hbm4b:s4+s16], $0x40, s19, s16, $0xb8;
	[tilespmem:$0x10800] =	vst v63  }
0x4f: {  	p1 =	seq.s32 s11, $0x60000  }
0x50: {  	[tilespmem:s22], [sflag:$0x3] =	stream.indirect.gather [hbm4b:s4+s16], $0x40, s21, s16, $0xb8;
	[tilespmem:$0x10800] =	vst v63  }
0x51: {  	p2 =	seq.s32 @!p1 s11, $0x0;
	s10 =	sshrl.u32 @!p1 s6, $0x3;
	s1 =	rddreg [dreg:$0x0]  }
0x52: {  	[tilespmem:s24], [sflag:$0x3] =	stream.indirect.gather [hbm4b:s4+s16], $0x40, s23, s16, $0xb8;
	[tilespmem:$0x10800] =	vst v63  }
0x53: {  	p2 =	por p1, !p2;
	s1 =	sadd.s32 @!p1 s1, s10;
	s10 =	simm.s32 @!p1 $0x0  }
0x54: {  	[tilespmem:s10], [sflag:$0x1] =	stream.linear.gather @!p1 [hbm4b:s1+s10], $0x200, $0x38;
	[tilespmem:$0x10800] =	vst v63  }
0x55: {  	_ =	swait.ge @p2 [sflag:s8], $0x2000  }
0x56: {  	[sflag:s8] =	ssyncset.done @p2 $0x0  }
0x57: {  	[sflag:s8] =	ssyncadd.s32 @p2 $0xFFFFE000  }
0x58: {  	_ =	swait.ge @p2 [sflag:s8], $0x2000  }
0x59: {  	[sflag:s8] =	ssyncset.done @p2 $0x0  }
0x5a: {  	[sflag:s8] =	ssyncadd.s32 @p2 $0xFFFFE000  }
0x5b: {  	_ =	swait.ge @p2 [sflag:s8], $0x2000  }
0x5c: {  	[sflag:s8] =	ssyncset.done @p2 $0x0  }
0x5d: {  	[sflag:s8] =	ssyncadd.s32 @p2 $0xFFFFE000  }
0x5e: {  	s1 =	sadd.s32 @p2 s11, s13;
	_ =	swait.ge @p2 [sflag:s8], $0x2000  }
0x5f: {  	s1 =	sand.u32 @p2 $0x1FFFE000, s1;
	[sflag:s8] =	ssyncset.done @p2 $0x0  }
0x60: {  	s1 =	sadd.s32 @p2 s5, s1;
	[sflag:s8] =	ssyncadd.s32 @p2 $0xFFFFE000  }
0x61: {  	[hbm4b:s1+s7] =	stream.strided.scatter @p2 [tilespmem:s28], [sflag:$0x6], $0x8000, s16, s7, $0x38;
	[tilespmem:$0x10800] =	vst v63  }
0x62: {  	_ =	swait.ge [sflag:s25], $0x200  }
0x63: {  	[sflag:s25] =	ssyncset.done $0x0  }
0x64: {  	[sflag:s25] =	ssyncadd.s32 $0xFFFFFE00  }
0x65: {  	v58 =	vld [tilespmem:$0x200]  }
0x66: {  	v59 =	vld [tilespmem:$0x210]  }
0x67: {  	v60 =	vld [tilespmem:$0x220]  }
0x68: {  	v61 =	vld [tilespmem:$0x230]  }
0x69: {  	v62 =	vld [tilespmem:$0x240]  }
0x6a: {  	v63 =	vld [tilespmem:$0x250];
	v0 =	vshll.u32 v58, $0x1  }
0x6b: {  	v8 =	vld [tilespmem:$0x260];
	v7 =	vshll.u32 v59, $0x1;
	[tilespmem:$0x600] =	vst v0  }
0x6c: {  	v10 =	vld [tilespmem:$0x270];
	v9 =	vshll.u32 v60, $0x1;
	[tilespmem:$0x610] =	vst v7  }
0x6d: {  	v12 =	vld [tilespmem:$0x280];
	v11 =	vshll.u32 v61, $0x1;
	[tilespmem:$0x620] =	vst v9  }
0x6e: {  	v14 =	vld [tilespmem:$0x290];
	v13 =	vshll.u32 v62, $0x1;
	[tilespmem:$0x630] =	vst v11  }
0x6f: {  	v16 =	vld [tilespmem:$0x2A0];
	v15 =	vshll.u32 v63, $0x1;
	[tilespmem:$0x640] =	vst v13  }
0x70: {  	v18 =	vld [tilespmem:$0x2B0];
	v17 =	vshll.u32 v8, $0x1;
	[tilespmem:$0x650] =	vst v15  }
0x71: {  	v20 =	vld [tilespmem:$0x2C0];
	v19 =	vshll.u32 v10, $0x1;
	[tilespmem:$0x660] =	vst v17  }
0x72: {  	v22 =	vld [tilespmem:$0x2D0];
	v21 =	vshll.u32 v12, $0x1;
	[tilespmem:$0x670] =	vst v19  }
0x73: {  	v24 =	vld [tilespmem:$0x2E0];
	v23 =	vshll.u32 v14, $0x1;
	[tilespmem:$0x680] =	vst v21  }
0x74: {  	v26 =	vld [tilespmem:$0x2F0];
	v25 =	vshll.u32 v16, $0x1;
	[tilespmem:$0x690] =	vst v23  }
0x75: {  	v28 =	vld [tilespmem:$0x300];
	v27 =	vshll.u32 v18, $0x1;
	[tilespmem:$0x6A0] =	vst v25  }
0x76: {  	v30 =	vld [tilespmem:$0x310];
	v29 =	vshll.u32 v20, $0x1;
	[tilespmem:$0x6B0] =	vst v27  }
0x77: {  	v32 =	vld [tilespmem:$0x320];
	v31 =	vshll.u32 v22, $0x1;
	[tilespmem:$0x6C0] =	vst v29  }
0x78: {  	v34 =	vld [tilespmem:$0x330];
	v33 =	vshll.u32 v24, $0x1;
	[tilespmem:$0x6D0] =	vst v31  }
0x79: {  	v36 =	vld [tilespmem:$0x340];
	v35 =	vshll.u32 v26, $0x1;
	[tilespmem:$0x6E0] =	vst v33  }
0x7a: {  	v38 =	vld [tilespmem:$0x350];
	v37 =	vshll.u32 v28, $0x1;
	[tilespmem:$0x6F0] =	vst v35  }
0x7b: {  	v40 =	vld [tilespmem:$0x360];
	v39 =	vshll.u32 v30, $0x1;
	[tilespmem:$0x700] =	vst v37  }
0x7c: {  	v42 =	vld [tilespmem:$0x370];
	v41 =	vshll.u32 v32, $0x1;
	[tilespmem:$0x710] =	vst v39  }
0x7d: {  	v44 =	vld [tilespmem:$0x380];
	v43 =	vshll.u32 v34, $0x1;
	[tilespmem:$0x720] =	vst v41  }
0x7e: {  	v46 =	vld [tilespmem:$0x390];
	v45 =	vshll.u32 v36, $0x1;
	[tilespmem:$0x730] =	vst v43  }
0x7f: {  	v48 =	vld [tilespmem:$0x3A0];
	v47 =	vshll.u32 v38, $0x1;
	[tilespmem:$0x740] =	vst v45  }
0x80: {  	v50 =	vld [tilespmem:$0x3B0];
	v49 =	vshll.u32 v40, $0x1;
	[tilespmem:$0x750] =	vst v47  }
0x81: {  	v52 =	vld [tilespmem:$0x3C0];
	v51 =	vshll.u32 v42, $0x1;
	[tilespmem:$0x760] =	vst v49  }
0x82: {  	v54 =	vld [tilespmem:$0x3D0];
	v53 =	vshll.u32 v44, $0x1;
	[tilespmem:$0x770] =	vst v51  }
0x83: {  	v56 =	vld [tilespmem:$0x3E0];
	v55 =	vshll.u32 v46, $0x1;
	[tilespmem:$0x780] =	vst v53  }
0x84: {  	v57 =	vshll.u32 v48, $0x1;
	v58 =	vld [tilespmem:$0x3F0];
	[tilespmem:$0x790] =	vst v55  }
0x85: {  	v59 =	vshll.u32 v50, $0x1;
	[tilespmem:$0x7A0] =	vst v57  }
0x86: {  	v60 =	vshll.u32 v52, $0x1;
	[tilespmem:$0x7B0] =	vst v59  }
0x87: {  	v61 =	vshll.u32 v54, $0x1;
	[tilespmem:$0x7C0] =	vst v60  }
0x88: {  	v62 =	vshll.u32 v56, $0x1;
	[tilespmem:$0x7D0] =	vst v61  }
0x89: {  	[tilespmem:$0x7E0] =	vst v62;
	v63 =	vshll.u32 v58, $0x1  }
0x8a: {  	s1 =	simm.s32 @!p0 $0x6;
	[tilespmem:$0x7F0] =	vst v63  }
0x8b: {  	_ =	swait.ge @!p0 [sflag:s1], $0x8000  }
0x8c: {  	[sflag:s1] =	ssyncset.done @!p0 $0x0  }
0x8d: {  	[sflag:s1] =	ssyncadd.s32 @!p0 $0xFFFF8000  }
0x8e: {  	[tilespmem:s28], [sflag:$0x4] =	stream.indirect.gather [hbm4b:s4+s16], $0x40, s26, s16, $0xb8;
	[tilespmem:$0x10800] =	vst v63  }
0x8f: {  	_ = 	snop  }
0x90: {  	[tilespmem:s30], [sflag:$0x4] =	stream.indirect.gather [hbm4b:s4+s16], $0x40, s29, s16, $0xb8;
	[tilespmem:$0x10800] =	vst v63  }
0x91: {  	_ = 	snop  }
0x92: {  	[tilespmem:s0], [sflag:$0x4] =	stream.indirect.gather [hbm4b:s4+s16], $0x40, s31, s16, $0xb8;
	[tilespmem:$0x10800] =	vst v63  }
0x93: {  	_ = 	snop  }
0x94: {  	[tilespmem:s14], [sflag:$0x4] =	stream.indirect.gather [hbm4b:s4+s16], $0x40, s2, s16, $0xb8;
	[tilespmem:$0x10800] =	vst v63  }
0x95: {  	s1 =	simm.s32 @!p1 $0x200  }
0x96: {  	[tilespmem:s1], [sflag:$0x2] =	stream.linear.gather @!p1 [hbm4b:s9+s10], $0x200, $0x38;
	[tilespmem:$0x10800] =	vst v63  }
0x97: {  	_ =	swait.ge [sflag:s3], $0x2000  }
0x98: {  	[sflag:s3] =	ssyncset.done $0x0  }
0x99: {  	[sflag:s3] =	ssyncadd.s32 $0xFFFFE000  }
0x9a: {  	_ =	swait.ge [sflag:s3], $0x2000  }
0x9b: {  	[sflag:s3] =	ssyncset.done $0x0  }
0x9c: {  	[sflag:s3] =	ssyncadd.s32 $0xFFFFE000  }
0x9d: {  	s10 =	sadd.s32 s11, s12;
	s11 =	sadd.s32 $0x4000, s11;
	_ =	swait.ge [sflag:s3], $0x2000  }
0x9e: {  	p0 =	sne.s32 s11, $0x64000;
	[sflag:s3] =	ssyncset.done $0x0  }
.Ltmp0:
0x9f: {  	[sflag:s3] =	ssyncadd.s32 $0xFFFFE000;
	(pc) =	sbr.rel @p0 .LBB2_2-.Ltmp0, $4  }
0xa0: {  	_ =	swait.ge [sflag:s3], $0x2000  }
0xa1: {  	[sflag:s3] =	ssyncset.done $0x0  }
0xa2: {  	s6 =	sadd.s32 $0x400, s6;
	s9 =	sadd.s32 $0x80, s9;
	[sflag:s3] =	ssyncadd.s32 $0xFFFFE000  }
0xa3: {  	[hbm4b:s10+s7] =	stream.strided.scatter [tilespmem:s18], [sflag:$0x5], $0x8000, s16, s7, $0x38;
	[tilespmem:$0x10800] =	vst v63  }
0xa4: {  	_ =	swait.ge [sflag:s8], $0x2000  }
0xa5: {  	[sflag:s8] =	ssyncset.done $0x0  }
0xa6: {  	[sflag:s8] =	ssyncadd.s32 $0xFFFFE000  }
0xa7: {  	_ =	swait.ge [sflag:s8], $0x2000  }
0xa8: {  	[sflag:s8] =	ssyncset.done $0x0  }
0xa9: {  	[sflag:s8] =	ssyncadd.s32 $0xFFFFE000  }
0xaa: {  	_ =	swait.ge [sflag:s8], $0x2000  }
0xab: {  	[sflag:s8] =	ssyncset.done $0x0  }
0xac: {  	[sflag:s8] =	ssyncadd.s32 $0xFFFFE000  }
0xad: {  	_ =	swait.ge [sflag:s8], $0x2000  }
0xae: {  	[sflag:s8] =	ssyncset.done $0x0  }
0xaf: {  	s10 =	simm.s32 $0x5;
	s1 =	rddreg [dreg:$0x5];
	[sflag:s8] =	ssyncadd.s32 $0xFFFFE000  }
0xb0: {  	[hbm4b:s1+s7] =	stream.strided.scatter [tilespmem:s28], [sflag:$0x6], $0x8000, s16, s7, $0x38;
	[tilespmem:$0x10800] =	vst v63  }
0xb1: {  	_ =	swait.ge [sflag:s10], $0x8000  }
0xb2: {  	[sflag:s10] =	ssyncset.done $0x0  }
0xb3: {  	s6 =	simm.s32 $0x6;
	[sflag:s10] =	ssyncadd.s32 $0xFFFF8000  }
0xb4: {  	_ =	swait.ge [sflag:s6], $0x8000  }
0xb5: {  	s9 =	rddreg [dreg:$0x9]  }
0xb6: {  	s11 =	rddreg [dreg:$0x6];
	s9 =	sadd.s32 $0x1, s9  }
0xb7: {  	p0 =	sne.s32 s9, s11  }
.Ltmp1:
0xb8: {  	_ = 	snop;
	(pc) =	sbr.rel @p0 .LBB2_1-.Ltmp1, $3  }
0xb9: {  	_ =	sdelay $0x1  }
0xba: {  	[sflag:s6] =	ssyncset.done $0x0  }
0xbb: {  	[sflag:s6] =	ssyncadd.s32 $0xFFFF8000  }
0xbc: {  	_ =	sfence.sel $0x180000  }
0xbd: {  	[bflag:$0x0] =	sbarrier.arrive $0xFFFF  }
0xbe: {  	_ =	strace $0x9000004A  }
0xbf: {  	s0 =	stileid.u32;
	[bflag:$0x2] =	sbarrier.arrive $0xFFFF  }
0xc0: {  	p0 =	sne.s32 s0, $0x0;
	s0 =	rddreg [dreg:$0x2]  }
0xc1: {  	s0 =	sadd.s32 @!p0 $0x100000, s0  }
0xc2: {  	[sflag:s0] =	ssyncadd.tile.s32 @!p0 $0x1;
	_ =	shalt  }
.Lfunc_end2:
_tile_overlayer_lowered:
.L_overlay_start_2:
0xc3: {  	(tag) =	ssettag $0x2  }
0xc4: {  	s0 =	rddreg [dreg:$0x0];
	s2 =	stileid.u32  }
0xc5: {  	s1 =	rddreg [dreg:$0x1];
	p0 =	sne.s32 s2, $0x0  }
0xc6: {  	s3 =	rddreg [dreg:$0x2];
	[bflag:$0x3] =	sbarrier.arrive $0xFFFF;
	s2 =	simm.s32 @!p0 $0x1C07  }
0xc7: {  	[timem:s3], [sflag:s2] =	dma.local @!p0 [hbm:s0], s1  }
0xc8: {  	s0 =	simm.s32 @!p0 $0x7  }
0xc9: {  	_ =	swait.ge @!p0 [sflag:s0], s1  }
0xca: {  	s1 =	ssub.s32 @!p0 $0x0, s1;
	[sflag:s0] =	ssyncset.done @!p0 $0x0  }
0xcb: {  	[sflag:s0] =	ssyncadd.s32 @!p0 s1  }
0xcc: {  	[bflag:$0x3] =	sbarrier.arrive $0xFFFF  }
0xcd: {  	_ =	shalt  }

// kernel: sparse-core-data-format-call.1.cloned.1.call-start
scs
called_computation.1_lowered:
.L_overlay_start_0:
0x0: {  	s2 =	sld [smem:$0x3FD9]  }
0x1: {  	s3 =	sld [smem:$0x3FFE];
	_ =	sdelay $0x1  }
0x2: {  	s1 =	srdreg.scid  }
0x3: {  	s0 =	sand.u32 $0x1, s1  }
0x4: {  	s18 =	sshll.u32 s0, $0xA;
	s2 =	sadd.s32 s3, s2  }
0x5: {  	s2 =	sadd.s32 s2, s18  }
0x6: {  	[smem:$0x3FC6] =	sst s2  }
0x7: {  	_ = 	snop  }
0x8: {  	s2 =	sld [smem:$0x3FC8];
	(tm) =	ssettm $0x1  }
0x9: {  	s19 =	sld [smem:$0x3FFB];
	_ =	sdelay $0x3  }
0xa: {  	_ =	strace s19  }
0xb: {  	s3 =	sld [smem:$0x3FFC];
	_ =	sdelay $0x3  }
0xc: {  	_ =	strace s3  }
0xd: {  	s3 =	sld [smem:$0x3FFD];
	_ =	sdelay $0x3  }
0xe: {  	_ =	strace s3  }
0xf: {  	_ =	strace $0x8FFFFFFF  }
0x10: {  	s20 =	sld [smem:$0x3FDB];
	_ =	sdelay $0x1  }
0x11: {  	s4 =	simm.s32 $_scs_section_size  }
0x12: {  	s5 =	simm.s32 $_size__tile_overlayer_lowered;
	s6 =	simm.s32 $_tile_overlayer_lowered  }
0x13: {  	s23 =	simm.s32 $0x1BFF;
	s22 =	sshll.u32 s6, $0x1;
	s3 =	sadd.s32 s4, s20  }
0x14: {  	s7 =	simm.s32 $0x0;
	s21 =	sshll.u32 s5, $0x1;
	s5 =	sadd.s32 s22, s3  }
0x15: {  	[timem:s7], [sflag:s23] =	dma.local [hbm:s5], s21  }
0x16: {  	_ =	swait.ge [sflag:s23], s21  }
0x17: {  	s4 =	ssub.s32 $0x0, s21;
	[sflag:s23] =	ssyncset.done $0x0  }
0x18: {  	[sflag:s23] =	ssyncadd.s32 s4;
	_ =	sdelay $0x1  }
0x19: {  	s24 =	simm.s32 $0x1B8B  }
0x1a: {  	_ =	swait.ge [sflag:s24], $0x1  }
0x1b: {  	[sflag:s24] =	ssyncset.done $0x0  }
0x1c: {  	s26 =	simm.s32 $0x1B8E;
	s25 =	sld [smem:$0x3FFE];
	[sflag:s24] =	ssyncadd.s32 $0xFFFFFFFF  }
0x1d: {  	s27 =	simm.s32 $execute0_lowered;
	[smem:$0x3FD2] =	sst s26  }
0x1e: {  	s5 =	sshll.u32 s27, $0x1;
	_ =	strace $0x80000046;
	[dreg:$0x1] =	wrdreg $0xFFFFFFFF  }
0x1f: {  	s28 =	simm.s32 $_size_execute0_lowered;
	s3 =	sadd.s32 s3, s5;
	[dreg:$0x0] =	wrdreg $0x0  }
0x20: {  	s5 =	sshll.u32 s28, $0x1;
	[dreg:$0x2] =	wrdreg s3  }
0x21: {  	[dreg:$0x3] =	wrdreg s5  }
0x22: {  	[dreg:$0x4] =	wrdreg $0xC0  }
0x23: {  	_ =	task [dreg:s7], $0x5FFFF  }
0x24: {  	[dreg:$0x1] =	wrdreg $0xFFFFFFFF  }
0x25: {  	[dreg:$0x0] =	wrdreg $0x60  }
0x26: {  	[dreg:$0x2] =	wrdreg s2  }
0x27: {  	[dreg:$0x3] =	wrdreg s25  }
0x28: {  	[dreg:$0x4] =	wrdreg $0x9  }
0x29: {  	_ =	task.clear_ibuf [dreg:s7], $0x5FFFF;
	_ =	strace $0x90000046  }
0x2a: {  	s29 =	simm.s32 $0x9;
	_ =	strace $0x80000048  }
0x2b: {  	_ =	swait.ge [sflag:s29], $0x1  }
0x2c: {  	[sflag:s29] =	ssyncadd.s32 $0xFFFFFFFF  }
0x2d: {  	_ =	strace $0x90000048  }
0x2e: {  	_ =	sfence  }
0x2f: {  	s30 =	sld [smem:$0x0];
	_ =	sdelay $0x2  }
0x30: {  	s31 =	sshll.u32 s1, $0xD;
	s1 =	sshrl.u32 s1, $0x2  }
0x31: {  	s3 =	sand.u32 $0x4000, s31;
	s1 =	sadd.s32 s1, s30  }
0x32: {  	s0 =	sor.u32 s3, s0;
	s1 =	sshll.u32 s1, $0x11  }
0x33: {  	s0 =	sor.u32 s1, s0  }
0x34: {  	s0 =	sadd.s32 $0x8F2B, s0  }
0x35: {  	[sflag:s0] =	ssyncadd.remote.s32 $0x1  }
0x36: {  	_ =	sfence.sel $0xFFFF  }
0x37: {  	[dreg:$0x0] =	wrdreg $0xFFFFFFFF;
	(pc) =	sbr.abs _section_cstart, $3  }
0x38: {  	[dreg:$0x1] =	wrdreg $0xFFFFFFFF  }
0x39: {  	_ =	task.clear_ibuf [dreg:s7], $0x2FFFF;
	_ =	strace $0x9FFFFFFF  }
0x3a: {  	(tm) =	ssettm $0x7FFFFFFF  }
0x3b: {  	_ =	shalt  }
tec
execute0_lowered:
.L_overlay_start_1:
0x0: {  	(tag) =	ssettag $0x1  }
0x1: {  	s0 =	srdreg.scid;
	s2 =	rddreg [dreg:$0x0]  }
0x2: {  	s5 =	rddreg [dreg:$0x1];
	s1 =	stileid.u32  }
0x3: {  	s4 =	simm.s32 $0x1;
	s6 =	simm.s32 $0x2;
	s15 =	simm.s32 $0x0  }
0x4: {  	p0 =	por $0x0, $0x0;
	s8 =	simm.s32 $0x80;
	s0 =	sshll.u32 s0, $0x4  }
0x5: {  	s14 =	simm.s32 $0x0;
	s9 =	simm.s32 $0x0;
	s3 =	sand.u32 $0x10, s0  }
.Ltmp0:
0x6: {  	s10 =	simm.s32 $0x0;
	s3 =	sor.u32 s1, s3;
	(pc) =	sbr.rel .LBB1_1-.Ltmp0, $4  }
0x7: {  	s0 =	rddreg [dreg:$0x2];
	_ =	strace $0x80000047;
	s3 =	sshll.u32 s3, $0x7  }
0x8: {  	s12 =	simm.s32 $0x0;
	[sflag:s4] =	ssyncpa.u1 $0x0;
	s7 =	ssub.s32 $0xF4200, s3  }
0x9: {  	s13 =	simm.s32 $0x0;
	[sflag:s6] =	ssyncpa.u1 $0x0;
	s6 =	sshrl.u32 s7, $0xC  }
0xa: {  	s5 =	sadd.s32 $0xE00, s5;
	s11 =	smov.u32 s3;
	s7 =	sadd.s32 $0x2, s6  }
.LBB1_5:
0xb: {  	p1 =	slt.u32 s13, $0x2  }
0xc: {  	s17 =	smov.u32 s15;
	p2 =	sgt.s32 @!p1 s15, $0xF41C0;
	s16 =	sshra.s32 @!p1 s15, $0x1F  }
0xd: {  	p3 =	sgt.s32 @!p1 s14, $0x40;
	s18 =	sshra.s32 @!p1 s14, $0x1F;
	p2 =	por !p2, p1  }
0xe: {  	s15 =	sand.u32 @!p1 s16, s15;
	p3 =	por !p3, p1;
	s16 =	smov.u32 s14  }
0xf: {  	s14 =	sand.u32 @!p1 s18, s14;
	s17 =	simm.s32 @p2 $0xF41C0;
	s16 =	simm.s32 @p3 $0x40  }
0x10: {  	s15 =	ssub.s32 @!p1 s17, s15;
	s14 =	ssub.s32 @!p1 s16, s14  }
0x11: {  	s18 =	smov.u32 s12;
	s16 =	sadd.s32 @!p1 $0xFFF0BE40, s15;
	s17 =	sadd.s32 @!p1 $0xFFFFFFC0, s14  }
0x12: {  	s15 =	ssub.s32 @!p1 $0xF4240, s15;
	p2 =	sgt.s32 @!p1 s16, $0x7F;
	p3 =	sgt.s32 @!p1 s17, $0x3F  }
0x13: {  	s14 =	ssub.s32 @!p1 $0x80, s14;
	p2 =	por !p2, p1;
	p3 =	por !p3, p1  }
0x14: {  	s16 =	sadd.s32 $0x1000, s11;
	s15 =	simm.s32 @!p2 $0x0;
	s14 =	simm.s32 @!p3 $0x0  }
0x15: {  	p2 =	sgt.s32 s16, $0xF423F;
	s14 =	smul.u32 @!p1 s14, s15;
	s15 =	sadd.s32 $0x40, s12  }
0x16: {  	s18 =	smov.u32 @p2 s15  }
0x17: {  	s16 =	smov.u32 @p2 s3;
	p2 =	sgt.s32 s18, $0x3F  }
0x18: {  	s18 =	simm.s32 @p2 $0x0;
	p2 =	sne.s32 s13, s7  }
.Ltmp1:
0x19: {  	p0 =	por !p0, !p0;
	s17 =	simm.s32 @!p1 $0x2;
	(pc) =	sbr.rel @!p2 .LBB1_6-.Ltmp1, $4  }
0x1a: {  	s15 =	smov.u32 s9;
	s9 =	smov.u32 s11;
	s14 =	sand.u32 @!p1 $0x3FFFFFFF, s14  }
0x1b: {  	s11 =	smov.u32 s16;
	_ =	swait.ge @!p1 [sflag:s17], s14;
	s19 =	ssub.s32 @!p1 $0x0, s14  }
0x1c: {  	s14 =	smov.u32 s10;
	s13 =	sadd.s32 $0x1, s13;
	[sflag:s17] =	ssyncset.done @!p1 $0x0  }
0x1d: {  	s10 =	smov.u32 s12;
	s12 =	smov.u32 s18;
	[sflag:s17] =	ssyncadd.s32 @!p1 s19  }
.LBB1_1:
0x1e: {  	p1 =	sgt.u32 s13, s6  }
0x1f: {  	s16 =	sshrl.u32 @!p1 s12, $0x3  }
0x20: {  	s17 =	sshll.u32 @!p1 s11, $0x3;
	s16 =	smul.u32 @!p1 $0x7A1400, s16  }
0x21: {  	s18 =	sshll.u32 @!p1 s12, $0x7;
	s17 =	sand.u32 @!p1 $0xFFFFFC00, s17  }
0x22: {  	s16 =	sadd.s32 @!p1 s16, s17;
	s17 =	sand.u32 @!p1 $0x380, s18  }
0x23: {  	s18 =	sand.u32 @!p1 $0x7F, s11;
	s16 =	sor.u32 @!p1 s17, s16  }
0x24: {  	s17 =	sor.u32 @!p1 s18, s16  }
0x25: {  	s18 =	smulhi.u32 @!p1 $0x218D6287, s17;
	_ =	sdelay $0x1  }
0x26: {  	s16 =	smulhi.u32 @!p1 $0x218D6287, s16;
	s18 =	sshrl.u32 @!p1 s18, $0x11  }
0x27: {  	s18 =	smul.u32 @!p1 $0xF4280, s18  }
0x28: {  	s19 =	sxor.u32 @!p1 $0xFFFFFFFF, s13;
	s16 =	sshrl.u32 @!p1 s16, $0x11  }
0x29: {  	s19 =	sshll.u32 @!p1 s19, $0xD;
	s16 =	sand.u32 @!p1 $0x3F, s16;
	s17 =	ssub.s32 @!p1 s17, s18  }
0x2a: {  	s16 =	smul.u32 @!p1 $0x1E850, s16;
	s18 =	sshrl.u32 @!p1 s17, $0x3;
	s17 =	sand.u32 @!p1 $0x7, s17  }
0x2b: {  	s19 =	sand.u32 @!p1 $0x2000, s19;
	s18 =	sadd.s32 @!p1 s2, s18;
	s17 =	sshll.u32 @!p1 s17, $0x12  }
0x2c: {  	s16 =	sadd.s32 @!p1 s16, s18;
	s17 =	sor.u32 @!p1 $0x400, s17;
	s18 =	simm.s32 @!p1 $0x7A1400  }
0x2d: {  	[tilespmem:s19], [sflag:$0x1] =	stream.strided.gather @!p1 [hbm4b:s16+s17], $0x2000, s18, s17, $0x38;
	[tilespmem:$0x8100] =	vst v63  }
0x2e: {  	p1 =	seq.s32 s13, $0x0  }
0x2f: {  	p2 =	sge.u32 @!p1 s13, s7  }
0x30: {  	p1 =	por p1, p2  }
.Ltmp2:
0x31: {  	_ = 	snop;
	(pc) =	sbr.rel @p1 .LBB1_5-.Ltmp2, $1  }
0x32: {  	_ =	sdelay $0x3  }
0x33: {  	s16 =	simm.s32 $0x1  }
0x34: {  	_ =	swait.ge [sflag:s4], $0x2000;
	s16 =	simm.s32 @!p0 $0x0  }
0x35: {  	[sflag:s4] =	ssyncset.done $0x0;
	s17 =	sshll.u32 s16, $0xD  }
0x36: {  	[sflag:s4] =	ssyncadd.s32 $0xFFFFE000;
	s17 =	sor.u32 $0x40, s17  }
0x37: {  	s16 =	smul.u32 $0x8200, s16;
	v0 =	vld [tilespmem:s17+$0x30]  }
0x38: {  	v1 =	vld [tilespmem:s17+$0xFFFFFFD0]  }
0x39: {  	s16 =	sshrl.u32 s16, $0x2;
	v5 =	vld [tilespmem:s17+$0xFFFFFFE0]  }
0x3a: {  	v6 =	vld [tilespmem:s17+$0xFFFFFFF0];
	s19 =	sor.u32 $0x4000, s16  }
0x3b: {  	s31 =	sand.u32 $0x1, s13;
	v4 =	vld [tilespmem:s17+$0x0];
	s18 =	sadd.s32 $0x0, s19  }
0x3c: {  	v3 =	vld [tilespmem:s17+$0x10];
	s16 =	smul.u32 $0x8200, s31;
	[tilespmem:s18+$0x1C70 ss:$0x41] =	vst.msk $0xffff, v0  }
0x3d: {  	v2 =	vld [tilespmem:s17+$0x20];
	[tilespmem:s18+$0x410 ss:$0x41] =	vst.msk $0xffff, v1  }
0x3e: {  	s16 =	sshrl.u32 s16, $0x2;
	v1 =	vld [tilespmem:s17+$0xFFFFFFC0];
	[tilespmem:s18+$0x820 ss:$0x41] =	vst.msk $0xffff, v5;
	s17 =	sadd.s32 $0x80, s17  }
0x3f: {  	s20 =	simm.s32 $0x4;
	s21 =	simm.s32 $0x8;
	s16 =	sor.u32 $0x4000, s16;
	[tilespmem:s18+$0xC30 ss:$0x41] =	vst.msk $0xffff, v6;
	v0 =	vld [tilespmem:s17+$0x30]  }
.LBB1_3:
0x40: {  	p1 =	sne.s32 s21, $0xFC;
	v5 =	vld [tilespmem:s17+$0xFFFFFFD0];
	[tilespmem:s18+$0x1040 ss:$0x41] =	vst.msk $0xffff, v4  }
0x41: {  	v6 =	vld [tilespmem:s17+$0xFFFFFFE0];
	[tilespmem:s18+$0x1450 ss:$0x41] =	vst.msk $0xffff, v3  }
0x42: {  	s22 =	sshra.s32 s20, $0x2;
	s20 =	smov.u32 s21;
	v7 =	vld [tilespmem:s17+$0xFFFFFFF0];
	[tilespmem:s18+$0x1860 ss:$0x41] =	vst.msk $0xffff, v2  }
.Ltmp3:
0x43: {  	v4 =	vld [tilespmem:s17+$0x0];
	[tilespmem:s18+$0x0 ss:$0x41] =	vst.msk $0xffff, v1;
	s18 =	sadd.s32 s22, s19;
	(pc) =	sbr.rel @p1 .LBB1_3-.Ltmp3, $4  }
0x44: {  	v3 =	vld [tilespmem:s17+$0x10];
	[tilespmem:s18+$0x1C70 ss:$0x41] =	vst.msk $0xffff, v0  }
0x45: {  	[tilespmem:s18+$0x410 ss:$0x41] =	vst.msk $0xffff, v5;
	v2 =	vld [tilespmem:s17+$0x20]  }
0x46: {  	v1 =	vld [tilespmem:s17+$0xFFFFFFC0];
	[tilespmem:s18+$0x820 ss:$0x41] =	vst.msk $0xffff, v6;
	s17 =	sadd.s32 $0x80, s17  }
0x47: {  	s21 =	sadd.s32 $0x4, s21;
	v0 =	vld [tilespmem:s17+$0x30];
	[tilespmem:s18+$0xC30 ss:$0x41] =	vst.msk $0xffff, v7  }
0x48: {  	s21 =	sshll.u32 s9, $0x7;
	s22 =	sshll.u32 s10, $0x3;
	s20 =	sshra.s32 s20, $0x2  }
0x49: {  	p1 =	sgt.s32 s9, $0xF41C0;
	s30 =	sshra.s32 s9, $0x1F;
	s25 =	sshra.s32 s10, $0x1F  }
0x4a: {  	v5 =	vld [tilespmem:s17+$0xFFFFFFD0];
	s28 =	sshrl.u32 s10, $0x3;
	s23 =	sand.u32 $0xFFFFFC00, s21;
	s22 =	sand.u32 $0xFFFFFC00, s22  }
0x4b: {  	[tilespmem:s18+$0x1040 ss:$0x41] =	vst.msk $0xffff, v4;
	v58 =	vld [tilespmem:s17+$0xFFFFFFE0];
	s21 =	sand.u32 $0x380, s21;
	s19 =	sadd.s32 s20, s19;
	s22 =	sadd.s32 s22, s23  }
0x4c: {  	v59 =	vld [tilespmem:s17+$0xFFFFFFF0];
	[tilespmem:s18+$0x1450 ss:$0x41] =	vst.msk $0xffff, v3;
	s29 =	sor.u32 s21, s22;
	s21 =	smov.u32 s9;
	s22 =	sand.u32 s30, s9  }
0x4d: {  	v60 =	vld [tilespmem:s17+$0x0];
	[tilespmem:s18+$0x1860 ss:$0x41] =	vst.msk $0xffff, v2;
	s30 =	sand.u32 $0x7, s10;
	s20 =	sshrl.u32 s29, $0x7;
	s21 =	simm.s32 @!p1 $0xF41C0  }
0x4e: {  	v61 =	vld [tilespmem:s17+$0x10];
	[tilespmem:s18+$0x0 ss:$0x41] =	vst.msk $0xffff, v1;
	p1 =	sgt.s32 s10, $0x40;
	s24 =	ssub.s32 s21, s22;
	s21 =	smov.u32 s10  }
0x4f: {  	v62 =	vld [tilespmem:s17+$0x20];
	[tilespmem:s19+$0x1C70 ss:$0x41] =	vst.msk $0xffff, v0;
	s31 =	smulhi.u32 $0x218DEF5, s20;
	s22 =	sand.u32 s25, s10;
	s21 =	simm.s32 @!p1 $0x40  }
0x50: {  	v63 =	vld [tilespmem:s17+$0xFFFFFFC0];
	[tilespmem:s19+$0x410 ss:$0x41] =	vst.msk $0xffff, v5;
	s26 =	sadd.s32 $0xFFF0BE40, s24;
	s17 =	ssub.s32 $0xF4240, s24;
	s21 =	ssub.s32 s21, s22  }
0x51: {  	[tilespmem:s19+$0x820 ss:$0x41] =	vst.msk $0xffff, v58;
	s23 =	sshrl.u32 s31, $0xD;
	p1 =	sgt.s32 s26, $0x7F;
	s27 =	sadd.s32 $0xFFFFFFC0, s21  }
0x52: {  	[tilespmem:s19+$0xC30 ss:$0x41] =	vst.msk $0xffff, v59;
	s23 =	smul.u32 $0xF4240, s23;
	s18 =	ssub.s32 $0x80, s21;
	p2 =	sgt.s32 s27, $0x3F  }
.Ltmp4:
0x53: {  	[tilespmem:s19+$0x1040 ss:$0x41] =	vst.msk $0xffff, v60;
	s17 =	simm.s32 @p1 $0x0;
	s18 =	simm.s32 @p2 $0x0;
	(pc) =	sbr.rel .LBB1_5-.Ltmp4, $4  }
0x54: {  	s29 =	sand.u32 $0xF, s28;
	[tilespmem:s19+$0x1450 ss:$0x41] =	vst.msk $0xffff, v61;
	s20 =	ssub.s32 s20, s23;
	s17 =	smul.u32 s18, s17  }
0x55: {  	[tilespmem:s19+$0x1860 ss:$0x41] =	vst.msk $0xffff, v62;
	s21 =	sshll.u32 s30, $0x12;
	s20 =	sshll.u32 s20, $0x4;
	s18 =	sadd.s32 s5, s29  }
0x56: {  	[tilespmem:s19+$0x0 ss:$0x41] =	vst.msk $0xffff, v63;
	s31 =	sor.u32 $0x40, s21;
	s18 =	sadd.s32 s20, s18;
	s17 =	sand.u32 $0x3FFFFFFF, s17  }
0x57: {  	[hbm4b:s18+s31] =	stream.strided.scatter [tilespmem:s16], [sflag:$0x2], s17, s8, s31, $0x18;
	[tilespmem:$0x8100] =	vst v63  }
.LBB1_6:
0x58: {  	_ =	sfence.sel $0x180000  }
0x59: {  	s2 =	simm.s32 $0x1;
	[bflag:$0x0] =	sbarrier.arrive $0xFFFF  }
0x5a: {  	s31 =	simm.s32 $0x2;
	[sflag:s2] =	ssyncpa.u1 $0x1  }
0x5b: {  	[sflag:s31] =	ssyncpa.u1 $0x1  }
0x5c: {  	p0 =	sne.s32 s1, $0x0;
	_ =	strace $0x90000047  }
0x5d: {  	s0 =	sadd.s32 @!p0 $0x100000, s0;
	[bflag:$0x2] =	sbarrier.arrive $0xFFFF  }
0x5e: {  	[sflag:s0] =	ssyncadd.tile.s32 @!p0 $0x1;
	_ =	shalt  }
.Lfunc_end1:
_tile_overlayer_lowered:
.L_overlay_start_2:
0x5f: {  	(tag) =	ssettag $0x2  }
0x60: {  	s0 =	rddreg [dreg:$0x0];
	s2 =	stileid.u32  }
0x61: {  	s1 =	rddreg [dreg:$0x1];
	p0 =	sne.s32 s2, $0x0  }
0x62: {  	s3 =	rddreg [dreg:$0x2];
	[bflag:$0x3] =	sbarrier.arrive $0xFFFF;
	s2 =	simm.s32 @!p0 $0x1C01  }
0x63: {  	[timem:s3], [sflag:s2] =	dma.local @!p0 [hbm:s0], s1  }
0x64: {  	s0 =	simm.s32 @!p0 $0x1  }
0x65: {  	_ =	swait.ge @!p0 [sflag:s0], s1  }
0x66: {  	s1 =	ssub.s32 @!p0 $0x0, s1;
	[sflag:s0] =	ssyncset.done @!p0 $0x0  }
0x67: {  	[sflag:s0] =	ssyncadd.s32 @!p0 s1  }
0x68: {  	[bflag:$0x3] =	sbarrier.arrive $0xFFFF  }
0x69: {  	_ =	shalt  }

// kernel: sparse-core-data-format-call.cloned.1.call-start
scs
called_computation_lowered:
.L_overlay_start_0:
0x0: {  	s2 =	sld [smem:$0x3FD9]  }
0x1: {  	s3 =	sld [smem:$0x3FFE];
	_ =	sdelay $0x1  }
0x2: {  	s1 =	srdreg.scid  }
0x3: {  	s0 =	sand.u32 $0x1, s1  }
0x4: {  	s18 =	sshll.u32 s0, $0xA;
	s2 =	sadd.s32 s3, s2  }
0x5: {  	s2 =	sadd.s32 s2, s18  }
0x6: {  	[smem:$0x3FC6] =	sst s2  }
0x7: {  	_ = 	snop  }
0x8: {  	s2 =	sld [smem:$0x3FD0];
	(tm) =	ssettm $0x1  }
0x9: {  	s19 =	sld [smem:$0x3FFB];
	_ =	sdelay $0x3  }
0xa: {  	_ =	strace s19  }
0xb: {  	s3 =	sld [smem:$0x3FFC];
	_ =	sdelay $0x3  }
0xc: {  	_ =	strace s3  }
0xd: {  	s3 =	sld [smem:$0x3FFD];
	_ =	sdelay $0x3  }
0xe: {  	_ =	strace s3  }
0xf: {  	_ =	strace $0x8FFFFFFF  }
0x10: {  	s20 =	sld [smem:$0x3FDB];
	_ =	sdelay $0x1  }
0x11: {  	s4 =	simm.s32 $_scs_section_size  }
0x12: {  	s5 =	simm.s32 $_size__tile_overlayer_lowered;
	s6 =	simm.s32 $_tile_overlayer_lowered  }
0x13: {  	s23 =	simm.s32 $0x1BFF;
	s22 =	sshll.u32 s6, $0x1;
	s3 =	sadd.s32 s4, s20  }
0x14: {  	s7 =	simm.s32 $0x0;
	s21 =	sshll.u32 s5, $0x1;
	s5 =	sadd.s32 s22, s3  }
0x15: {  	[timem:s7], [sflag:s23] =	dma.local [hbm:s5], s21  }
0x16: {  	_ =	swait.ge [sflag:s23], s21  }
0x17: {  	s4 =	ssub.s32 $0x0, s21;
	[sflag:s23] =	ssyncset.done $0x0  }
0x18: {  	[sflag:s23] =	ssyncadd.s32 s4;
	_ =	sdelay $0x1  }
0x19: {  	s24 =	simm.s32 $0x1B8B  }
0x1a: {  	_ =	swait.ge [sflag:s24], $0x1  }
0x1b: {  	[sflag:s24] =	ssyncset.done $0x0  }
0x1c: {  	s26 =	simm.s32 $0x1B8E;
	s25 =	sld [smem:$0x3FFE];
	[sflag:s24] =	ssyncadd.s32 $0xFFFFFFFF  }
0x1d: {  	s27 =	simm.s32 $execute0_lowered;
	[smem:$0x3FD2] =	sst s26  }
0x1e: {  	s5 =	sshll.u32 s27, $0x1;
	_ =	strace $0x8000004C;
	[dreg:$0x1] =	wrdreg $0xFFFFFFFF  }
0x1f: {  	s28 =	simm.s32 $_size_execute0_lowered;
	s3 =	sadd.s32 s3, s5;
	[dreg:$0x0] =	wrdreg $0x0  }
0x20: {  	s5 =	sshll.u32 s28, $0x1;
	[dreg:$0x2] =	wrdreg s3  }
0x21: {  	[dreg:$0x3] =	wrdreg s5  }
0x22: {  	[dreg:$0x4] =	wrdreg $0xC0  }
0x23: {  	_ =	task [dreg:s7], $0x5FFFF  }
0x24: {  	[dreg:$0x1] =	wrdreg $0xFFFFFFFF  }
0x25: {  	[dreg:$0x0] =	wrdreg $0x60  }
0x26: {  	[dreg:$0x2] =	wrdreg s25  }
0x27: {  	[dreg:$0x3] =	wrdreg s2  }
0x28: {  	[dreg:$0x4] =	wrdreg $0x9  }
0x29: {  	_ =	task.clear_ibuf [dreg:s7], $0x5FFFF;
	_ =	strace $0x9000004C  }
0x2a: {  	s29 =	simm.s32 $0x9;
	_ =	strace $0x8000004E  }
0x2b: {  	_ =	swait.ge [sflag:s29], $0x1  }
0x2c: {  	[sflag:s29] =	ssyncadd.s32 $0xFFFFFFFF  }
0x2d: {  	_ =	strace $0x9000004E  }
0x2e: {  	_ =	sfence  }
0x2f: {  	s30 =	sld [smem:$0x0];
	_ =	sdelay $0x2  }
0x30: {  	s31 =	sshll.u32 s1, $0xD;
	s1 =	sshrl.u32 s1, $0x2  }
0x31: {  	s3 =	sand.u32 $0x4000, s31;
	s1 =	sadd.s32 s1, s30  }
0x32: {  	s0 =	sor.u32 s3, s0;
	s1 =	sshll.u32 s1, $0x11  }
0x33: {  	s0 =	sor.u32 s1, s0  }
0x34: {  	s0 =	sadd.s32 $0x8F2B, s0  }
0x35: {  	[sflag:s0] =	ssyncadd.remote.s32 $0x1  }
0x36: {  	_ =	sfence.sel $0xFFFF  }
0x37: {  	[dreg:$0x0] =	wrdreg $0xFFFFFFFF;
	(pc) =	sbr.abs _section_cstart, $3  }
0x38: {  	[dreg:$0x1] =	wrdreg $0xFFFFFFFF  }
0x39: {  	_ =	task.clear_ibuf [dreg:s7], $0x2FFFF;
	_ =	strace $0x9FFFFFFF  }
0x3a: {  	(tm) =	ssettm $0x7FFFFFFF  }
0x3b: {  	_ =	shalt  }
tec
execute0_lowered:
.L_overlay_start_1:
0x0: {  	(tag) =	ssettag $0x1  }
0x1: {  	s0 =	srdreg.scid  }
0x2: {  	s1 =	sshll.u32 s0, $0x4  }
0x3: {  	s0 =	stileid.u32;
	s1 =	sand.u32 $0x10, s1  }
0x4: {  	s1 =	sor.u32 s0, s1  }
0x5: {  	s6 =	rddreg [dreg:$0x0];
	s4 =	simm.s32 $0x1;
	s2 =	sshll.u32 s1, $0x7  }
0x6: {  	s7 =	simm.s32 $0x2;
	s12 =	simm.s32 $0x0;
	s1 =	ssub.s32 $0x1000, s2  }
0x7: {  	s8 =	simm.s32 $0x8000;
	s13 =	simm.s32 $0x0;
	s3 =	sand.u32 $0xF80, s1  }
0x8: {  	s9 =	simm.s32 $0x0;
	s5 =	sshrl.u32 s1, $0xC;
	p0 =	sne.s32 s3, $0x0  }
.Ltmp0:
0x9: {  	s1 =	rddreg [dreg:$0x2];
	s4 =	simm.s32 @!p0 $0x0;
	(pc) =	sbr.rel .LBB1_1-.Ltmp0, $4  }
0xa: {  	s11 =	simm.s32 $0x0;
	s3 =	rddreg [dreg:$0x1];
	s5 =	sadd.s32 s4, s5  }
0xb: {  	_ =	strace $0x8000004D;
	s4 =	simm.s32 $0x1;
	s5 =	smul.u32 $0xC8, s5  }
0xc: {  	s6 =	sadd.s32 $0xE00, s6;
	s10 =	smov.u32 s2;
	[sflag:s4] =	ssyncpa.u1 $0x0  }
0xd: {  	p0 =	por $0x0, $0x0;
	[sflag:s7] =	ssyncpa.u1 $0x0;
	s7 =	sor.u32 $0x1, s5  }
.LBB1_4:
0xe: {  	s16 =	sshll.u32 s13, $0x3;
	s17 =	sand.u32 $0x78, s13  }
0xf: {  	s30 =	sand.u32 $0x7E00, s13;
	s12 =	sshll.u32 s12, $0xF;
	s16 =	sand.u32 $0xC00, s16  }
0x10: {  	[tilespmem:s15+$0x810 ss:$0x81] =	vst.msk $0xffff, v2;
	s31 =	sand.u32 $0x7, s13;
	s16 =	sor.u32 s17, s16;
	s17 =	sadd.s32 s3, s30  }
0x11: {  	[tilespmem:s15+$0x1020 ss:$0x81] =	vst.msk $0xffff, v0;
	s13 =	sshll.u32 s31, $0x12;
	s12 =	sadd.s32 s12, s17;
	s16 =	sshrl.u32 s16, $0x3  }
0x12: {  	[tilespmem:s15+$0x0 ss:$0x81] =	vst.msk $0xffff, v1;
	s13 =	sor.u32 $0x400, s13;
	s12 =	sadd.s32 s16, s12  }
0x13: {  	[hbm4b:s12+s13] =	stream.strided.scatter [tilespmem:s14], [sflag:$0x2], $0x2000, s8, s13, $0x20;
	[tilespmem:$0x8080] =	vst v63  }
.LBB1_5:
0x14: {  	s14 =	sadd.s32 $0x1, s9  }
0x15: {  	s12 =	sadd.s32 $0x1000, s10;
	s16 =	smov.u32 s10;
	p2 =	sgt.s32 s14, $0xC7  }
0x16: {  	s16 =	smov.u32 @p2 s12  }
0x17: {  	s14 =	simm.s32 @p2 $0x0;
	p2 =	sgt.s32 s16, $0xFFF  }
0x18: {  	s16 =	smov.u32 @p2 s2;
	p2 =	sne.s32 s11, s7  }
.Ltmp1:
0x19: {  	p1 =	slt.u32 s11, $0x2;
	(pc) =	sbr.rel @!p2 .LBB1_6-.Ltmp1, $4  }
0x1a: {  	s15 =	simm.s32 @!p1 $0x2  }
0x1b: {  	s13 =	smov.u32 s10;
	p0 =	por !p0, !p0;
	_ =	swait.ge @!p1 [sflag:s15], $0x2000  }
0x1c: {  	s12 =	smov.u32 s9;
	[sflag:s15] =	ssyncset.done @!p1 $0x0;
	s9 =	smov.u32 s14  }
0x1d: {  	s11 =	sadd.s32 $0x1, s11;
	[sflag:s15] =	ssyncadd.s32 @!p1 $0xFFFFE000;
	s10 =	smov.u32 s16  }
.LBB1_1:
0x1e: {  	p1 =	sge.u32 s11, s5  }
0x1f: {  	s14 =	sand.u32 @!p1 $0x1FFFFFF, s9  }
0x20: {  	s15 =	smulhi.u32 @!p1 $0x147AE15, s14;
	_ =	sdelay $0x1  }
0x21: {  	s15 =	smul.u32 @!p1 $0xC8, s15  }
0x22: {  	s16 =	sxor.u32 @!p1 $0xFFFFFFFF, s11;
	s17 =	smul.u32 @!p1 $0xC80, s10  }
0x23: {  	s31 =	sadd.s32 $0xFFFFFFFF, s11;
	s16 =	sshll.u32 @!p1 s16, $0xD;
	s14 =	ssub.s32 @!p1 s14, s15  }
0x24: {  	s15 =	sand.u32 @!p1 $0x2000, s16;
	s16 =	sadd.s32 @!p1 s6, s17;
	s14 =	sshll.u32 @!p1 s14, $0x4  }
0x25: {  	s17 =	simm.s32 @!p1 $0x6400;
	s14 =	sadd.s32 @!p1 s14, s16;
	s16 =	simm.s32 @!p1 $0x40  }
0x26: {  	[tilespmem:s15], [sflag:$0x1] =	stream.strided.gather @!p1 [hbm4b:s14+s16], $0x2000, s17, s16, $0x38;
	[tilespmem:$0x8080] =	vst v63  }
0x27: {  	p1 =	sge.u32 s31, s5  }
.Ltmp2:
0x28: {  	_ = 	snop;
	(pc) =	sbr.rel @p1 .LBB1_5-.Ltmp2, $1  }
0x29: {  	_ =	sdelay $0x3  }
0x2a: {  	s14 =	simm.s32 $0x1  }
0x2b: {  	_ =	swait.ge [sflag:s4], $0x2000;
	s14 =	simm.s32 @!p0 $0x0  }
0x2c: {  	[sflag:s4] =	ssyncset.done $0x0;
	s15 =	sshll.u32 s14, $0xD  }
0x2d: {  	[sflag:s4] =	ssyncadd.s32 $0xFFFFE000;
	s18 =	sor.u32 $0x20, s15  }
0x2e: {  	s14 =	smul.u32 $0x8100, s14;
	v3 =	vld [tilespmem:s18+$0x10]  }
0x2f: {  	s30 =	sand.u32 $0x1, s11;
	v2 =	vld [tilespmem:s18+$0xFFFFFFF0]  }
0x30: {  	s15 =	smul.u32 $0x8100, s30;
	s14 =	sshrl.u32 s14, $0x2;
	v0 =	vld [tilespmem:s18+$0x0]  }
0x31: {  	v1 =	vld [tilespmem:s18+$0xFFFFFFE0];
	s16 =	sor.u32 $0x4000, s14  }
0x32: {  	s31 =	sshrl.u32 s15, $0x2;
	s15 =	sadd.s32 $0x0, s16  }
0x33: {  	s17 =	simm.s32 $0x4;
	s18 =	sadd.s32 $0x40, s18;
	s14 =	sor.u32 $0x4000, s31;
	[tilespmem:s15+$0x1830 ss:$0x81] =	vst.msk $0xffff, v3  }
.LBB1_3:
0x34: {  	v3 =	vld [tilespmem:s18+$0x10];
	p1 =	sne.s32 s17, $0x1FC;
	[tilespmem:s15+$0x810 ss:$0x81] =	vst.msk $0xffff, v2;
	s19 =	smov.u32 s17;
	s17 =	sadd.s32 $0x4, s17  }
.Ltmp3:
0x35: {  	v2 =	vld [tilespmem:s18+$0xFFFFFFF0];
	[tilespmem:s15+$0x1020 ss:$0x81] =	vst.msk $0xffff, v0;
	(pc) =	sbr.rel @p1 .LBB1_3-.Ltmp3, $4  }
0x36: {  	v0 =	vld [tilespmem:s18+$0x0];
	[tilespmem:s15+$0x0 ss:$0x81] =	vst.msk $0xffff, v1  }
0x37: {  	s15 =	sshra.s32 s19, $0x2;
	v1 =	vld [tilespmem:s18+$0xFFFFFFE0]  }
0x38: {  	s15 =	sadd.s32 s15, s16  }
0x39: {  	s18 =	sadd.s32 $0x40, s18;
	[tilespmem:s15+$0x1830 ss:$0x81] =	vst.msk $0xffff, v3  }
.Ltmp4:
0x3a: {  	_ = 	snop;
	(pc) =	sbr.rel .LBB1_4-.Ltmp4, $1  }
0x3b: {  	_ =	sdelay $0x3  }
.LBB1_6:
0x3c: {  	_ =	sfence.sel $0x180000  }
0x3d: {  	s2 =	simm.s32 $0x1;
	[bflag:$0x0] =	sbarrier.arrive $0xFFFF  }
0x3e: {  	s31 =	simm.s32 $0x2;
	[sflag:s2] =	ssyncpa.u1 $0x1  }
0x3f: {  	[sflag:s31] =	ssyncpa.u1 $0x1  }
0x40: {  	p0 =	sne.s32 s0, $0x0;
	_ =	strace $0x9000004D  }
0x41: {  	s0 =	sadd.s32 @!p0 $0x100000, s1;
	[bflag:$0x2] =	sbarrier.arrive $0xFFFF  }
0x42: {  	[sflag:s0] =	ssyncadd.tile.s32 @!p0 $0x1;
	_ =	shalt  }
.Lfunc_end1:
_tile_overlayer_lowered:
.L_overlay_start_2:
0x43: {  	(tag) =	ssettag $0x2  }
0x44: {  	s0 =	rddreg [dreg:$0x0];
	s2 =	stileid.u32  }
0x45: {  	s1 =	rddreg [dreg:$0x1];
	p0 =	sne.s32 s2, $0x0  }
0x46: {  	s3 =	rddreg [dreg:$0x2];
	[bflag:$0x3] =	sbarrier.arrive $0xFFFF;
	s2 =	simm.s32 @!p0 $0x1C01  }
0x47: {  	[timem:s3], [sflag:s2] =	dma.local @!p0 [hbm:s0], s1  }
0x48: {  	s0 =	simm.s32 @!p0 $0x1  }
0x49: {  	_ =	swait.ge @!p0 [sflag:s0], s1  }
0x4a: {  	s1 =	ssub.s32 @!p0 $0x0, s1;
	[sflag:s0] =	ssyncset.done @!p0 $0x0  }
0x4b: {  	[sflag:s0] =	ssyncadd.s32 @!p0 s1  }
0x4c: {  	[bflag:$0x3] =	sbarrier.arrive $0xFFFF  }
0x4d: {  	_ =	shalt  }

</sc_bundles>
